<compile_context>
chip_gen: v7x
topology: tpu7x:2x2x1
jax: 0.10.2.dev20260603
libtpu: 0.0.44.dev20260713+nightly
codegen_flags: <defaults>
</compile_context>

<pallas_src>
import functools

import jax
import jax.numpy as jnp
from jax import lax
from jax.experimental import pallas as pl
from jax.experimental.pallas import tpu as pltpu
from jax.experimental.pallas import tpu_sc as plsc



def _sc_gather(table, idx_flat):
    n_idx = idx_flat.shape[0]
    d = table.shape[1]
    info = plsc.get_sparse_core_info()
    nw = info.num_cores * info.num_subcores
    b_per_w = n_idx // nw
    ch = max(c for c in range(1, 129) if b_per_w % c == 0)
    n_ch = b_per_w // ch

    idx3 = idx_flat.reshape(nw, n_ch, ch)
    mesh = plsc.VectorSubcoreMesh(core_axis_name="c", subcore_axis_name="s")

    @functools.partial(
        pl.kernel,
        mesh=mesh,
        out_type=jax.ShapeDtypeStruct((nw, n_ch, ch, d), jnp.float32),
        scratch_types=[
            pltpu.VMEM((n_ch, ch), jnp.int32),
            pltpu.VMEM((n_ch, ch, d), jnp.float32),
            pltpu.SemaphoreType.DMA,
        ],
    )
    def gather_kernel(table_hbm, idx_hbm, out_hbm, idx_v, rows_v, sem):
        wid = lax.axis_index("s") * info.num_cores + lax.axis_index("c")
        pltpu.sync_copy(idx_hbm.at[wid], idx_v)
        copies = [
            pltpu.async_copy(table_hbm.at[idx_v.at[j]], rows_v.at[j], sem)
            for j in range(n_ch)
        ]
        for c in copies:
            c.wait()
        pltpu.sync_copy(rows_v, out_hbm.at[wid])

    out = gather_kernel(table, idx3)
    return out.reshape(n_idx, d)



def _gru_body(T, H, cap_ref, len_ref, wih_ref, whh_ref, bih_ref,
              bhh_ref, out_ref):
    wih = wih_ref[...]
    whh = whh_ref[...]
    bih = bih_ref[...]
    bhh = bhh_ref[...]
    lens = len_ref[...]
    bb = cap_ref.shape[1]

    h = jnp.zeros((bb, H), jnp.float32)
    acc = jnp.full((bb, H), jnp.finfo(jnp.float32).min, jnp.float32)
    dn = (((1,), (1,)), ((), ()))
    wih_b = wih.astype(jnp.bfloat16)
    whh_b = whh.astype(jnp.bfloat16)
    brz = bih[:, :2 * H] + bhh[:, :2 * H]
    bin_ = bih[:, 2 * H:]
    bhn = bhh[:, 2 * H:]
    for t in range(T):
        xt = cap_ref[t].astype(jnp.bfloat16)
        gi = lax.dot_general(xt, wih_b, dn,
                             preferred_element_type=jnp.float32)
        gh = lax.dot_general(h.astype(jnp.bfloat16), whh_b, dn,
                             preferred_element_type=jnp.float32)
        rz = jax.nn.sigmoid(gi[:, :2 * H] + gh[:, :2 * H] + brz)
        r = rz[:, :H]
        z = rz[:, H:]
        n = jnp.tanh(gi[:, 2 * H:] + bin_ + r * (gh[:, 2 * H:] + bhn))
        h = n + z * (h - n)
        acc = jnp.where(lens > t, jnp.maximum(acc, h), acc)
    out_ref[...] = acc


def _gru_maxpool(cap_t, lengths, W_ih, W_hh, b_ih, b_hh, block_b=256,
                 interpret=False):
    T, B, D = cap_t.shape
    H = W_hh.shape[1]
    nb = B // block_b
    lens2 = lengths.astype(jnp.int32).reshape(B, 1)
    bih2 = b_ih.reshape(1, 3 * H)
    bhh2 = b_hh.reshape(1, 3 * H)

    return pl.pallas_call(
        functools.partial(_gru_body, T, H),
        grid=(nb,),
        in_specs=[
            pl.BlockSpec((T, block_b, D), lambda b: (0, b, 0)),
            pl.BlockSpec((block_b, 1), lambda b: (b, 0)),
            pl.BlockSpec((3 * H, D), lambda b: (0, 0)),
            pl.BlockSpec((3 * H, H), lambda b: (0, 0)),
            pl.BlockSpec((1, 3 * H), lambda b: (0, 0)),
            pl.BlockSpec((1, 3 * H), lambda b: (0, 0)),
        ],
        out_specs=pl.BlockSpec((block_b, H), lambda b: (b, 0)),
        out_shape=jax.ShapeDtypeStruct((B, H), jnp.float32),
        interpret=interpret,
    )(cap_t, lens2, W_ih, W_hh, bih2, bhh2)


def kernel(x, lengths, embed_table, W_ih, W_hh, b_ih, b_hh):
    B, T = x.shape
    D = embed_table.shape[1]
    idx_t = jnp.transpose(x).reshape(T * B).astype(jnp.int32)
    cap_t = _sc_gather(embed_table, idx_t).reshape(T, B, D)
    cap_emb = jnp.transpose(cap_t, (1, 0, 2))
    outputs = _gru_maxpool(cap_t, lengths, W_ih, W_hh, b_ih, b_hh)
    return (outputs, cap_emb)

# --- scband reference (transcript-rebuilt; emitter-appended) ---
"""Pipeline reference for scband-encoder-text-1606317768967 (READ-ONLY COPY).

The authoritative reference and input builder live on the scoring server;
editing this copy changes nothing except your own understanding.
"""

import jax, jax.numpy as jnp
import numpy as np

VOCAB = 100000
WORD_DIM = 128
EMBED_SIZE = 512
BATCH = 1024
SEQ = 20


def setup_inputs(seed: int = 0) -> dict:
    key = jax.random.key(seed)
    k_x, k_len, k_emb, k_wih, k_whh, k_bih, k_bhh = jax.random.split(key, 7)
    x = jax.random.randint(k_x, (BATCH, SEQ), 0, VOCAB, dtype=jnp.int64 if jax.config.jax_enable_x64 else jnp.int32)
    lengths = jax.random.randint(k_len, (BATCH,), 1, SEQ + 1, dtype=jnp.int64 if jax.config.jax_enable_x64 else jnp.int32)
    embed_table = jax.random.normal(k_emb, (VOCAB, WORD_DIM), dtype=jnp.float32) * 0.05
    s_ih = 1.0 / np.sqrt(EMBED_SIZE)
    W_ih = jax.random.uniform(k_wih, (3 * EMBED_SIZE, WORD_DIM), dtype=jnp.float32, minval=-s_ih, maxval=s_ih)
    W_hh = jax.random.uniform(k_whh, (3 * EMBED_SIZE, EMBED_SIZE), dtype=jnp.float32, minval=-s_ih, maxval=s_ih)
    b_ih = jax.random.uniform(k_bih, (3 * EMBED_SIZE,), dtype=jnp.float32, minval=-s_ih, maxval=s_ih)
    b_hh = jax.random.uniform(k_bhh, (3 * EMBED_SIZE,), dtype=jnp.float32, minval=-s_ih, maxval=s_ih)
    return {"x": x, "lengths": lengths, "embed_table": embed_table, "W_ih": W_ih, "W_hh": W_hh, "b_ih": b_ih, "b_hh": b_hh}


def _gru_scan(cap_emb, W_ih, W_hh, b_ih, b_hh):
    B = cap_emb.shape[0]
    H = W_hh.shape[1]

    def step(h, xt):
        gi = xt @ W_ih.T + b_ih
        gh = h @ W_hh.T + b_hh
        i_r, i_z, i_n = jnp.split(gi, 3, axis=-1)
        h_r, h_z, h_n = jnp.split(gh, 3, axis=-1)
        r = jax.nn.sigmoid(i_r + h_r)
        z = jax.nn.sigmoid(i_z + h_z)
        n = jnp.tanh(i_n + r * h_n)
        h_new = (1.0 - z) * n + z * h
        return h_new, h_new

    h0 = jnp.zeros((B, H), dtype=cap_emb.dtype)
    xs = jnp.transpose(cap_emb, (1, 0, 2))  # [T, B, D]
    _, hs = jax.lax.scan(step, h0, xs)  # [T, B, H]
    return jnp.transpose(hs, (1, 0, 2))  # [B, T, H]


def reference(x, lengths, embed_table, W_ih, W_hh, b_ih, b_hh):
    # Embedding lookup: nn.Embedding(vocab_size, word_dim)
    cap_emb = jnp.take(embed_table, x, axis=0)  # [B, T, word_dim]
    # Maxout RNN: GRU over the padded sequence, then max-pool over valid timesteps
    hs = _gru_scan(cap_emb, W_ih, W_hh, b_ih, b_hh)  # [B, T, H]
    T = cap_emb.shape[1]
    mask = jnp.arange(T)[None, :] < lengths[:, None]  # [B, T]
    neg_inf = jnp.finfo(hs.dtype).min
    masked = jnp.where(mask[:, :, None], hs, neg_inf)
    outputs = jnp.max(masked, axis=1)  # [B, H]
    return (outputs, cap_emb)

if __name__ == "__main__":
    import jax
    _d = setup_inputs()
    print(jax.jit(kernel)(*tuple(_d.values())))

</pallas_src>

<mosaic_0001>
#map = affine_map<(d0, d1) -> (0, 0)>
#map1 = affine_map<(d0, d1) -> (0, 0, 0)>
#map2 = affine_map<(d0, d1) -> (0, 0, 0, 0)>
module attributes {stable_mosaic.version = 14 : i64} {
  func.func @gather_kernel(%arg0: i32, %arg1: i32, %arg2: memref<100000x128xf32, #tpu.memory_space<hbm>>, %arg3: memref<32x5x128xi32, #tpu.memory_space<hbm>>, %arg4: memref<32x5x128x128xf32, #tpu.memory_space<hbm>>, %arg5: memref<5x128xi32, #tpu.memory_space<vmem>>, %arg6: memref<5x128x128xf32, #tpu.memory_space<vmem>>, %arg7: memref<!tpu.dma_semaphore, #tpu.memory_space<semaphore_mem>>) attributes {dimension_semantics = [#tpu.dimension_semantics<core_parallel>, #tpu.dimension_semantics<subcore_parallel>], iteration_bounds = array<i64: 2, 16>, scalar_prefetch = 0 : i64, scratch_operands = 3 : i64, tpu.core_type = #tpu.core_type<sc_vector_subcore>, window_params = [{transform_indices = #map}, {transform_indices = #map1}, {transform_indices = #map2}]} {
    %mul3A = arith.constant 2 : i32
    %mul3A_0 = arith.muli %arg1, %mul3A : i32
    %add3A = arith.addi %mul3A_0, %arg0 : i32
    "tpu.region"() ({
      %run_scoped3A = tpu.sem_alloc : memref<!tpu.dma_semaphore, #tpu.memory_space<semaphore_mem>>
      %dma_start3A_119 = arith.constant 0 : i32
      %dma_start3A_120 = arith.constant 0 : i32
      %dma_start3A_121 = tpu.memref_slice %arg3[%add3A, %dma_start3A_119, %dma_start3A_120] : memref<32x5x128xi32, #tpu.memory_space<hbm>> -> memref<1x5x128xi32, #tpu.memory_space<hbm>>
      %dma_start3A_122 = tpu.memref_squeeze %dma_start3A_121 : memref<1x5x128xi32, #tpu.memory_space<hbm>> -> memref<5x128xi32, #tpu.memory_space<hbm>>
      %dma_start3A_123 = arith.constant 0 : i32
      %dma_start3A_124 = arith.constant 0 : i32
      %dma_start3A_125 = tpu.memref_slice %arg3[%add3A, %dma_start3A_123, %dma_start3A_124] : memref<32x5x128xi32, #tpu.memory_space<hbm>> -> memref<1x5x128xi32, #tpu.memory_space<hbm>>
      %dma_start3A_126 = tpu.memref_squeeze %dma_start3A_125 : memref<1x5x128xi32, #tpu.memory_space<hbm>> -> memref<5x128xi32, #tpu.memory_space<hbm>>
      tpu.enqueue_dma source(%dma_start3A_126 : memref<5x128xi32, #tpu.memory_space<hbm>>) target(%arg5 : memref<5x128xi32, #tpu.memory_space<vmem>>) target_semaphore(%run_scoped3A : memref<!tpu.dma_semaphore, #tpu.memory_space<semaphore_mem>>)
      %dma_wait3A_127 = arith.constant 0 : i32
      %dma_wait3A_128 = arith.constant 0 : i32
      %dma_wait3A_129 = tpu.memref_slice %arg3[%add3A, %dma_wait3A_127, %dma_wait3A_128] : memref<32x5x128xi32, #tpu.memory_space<hbm>> -> memref<1x5x128xi32, #tpu.memory_space<hbm>>
      %dma_wait3A_130 = tpu.memref_squeeze %dma_wait3A_129 : memref<1x5x128xi32, #tpu.memory_space<hbm>> -> memref<5x128xi32, #tpu.memory_space<hbm>>
      %dma_wait3A_131 = arith.constant 0 : i32
      %dma_wait3A_132 = arith.constant 0 : i32
      %dma_wait3A_133 = tpu.memref_slice %arg3[%add3A, %dma_wait3A_131, %dma_wait3A_132] : memref<32x5x128xi32, #tpu.memory_space<hbm>> -> memref<1x5x128xi32, #tpu.memory_space<hbm>>
      %dma_wait3A_134 = tpu.memref_squeeze %dma_wait3A_133 : memref<1x5x128xi32, #tpu.memory_space<hbm>> -> memref<5x128xi32, #tpu.memory_space<hbm>>
      tpu.wait_dma2 semaphore(%run_scoped3A : memref<!tpu.dma_semaphore, #tpu.memory_space<semaphore_mem>>) src(%dma_wait3A_134 : memref<5x128xi32, #tpu.memory_space<hbm>>) dst(%arg5 : memref<5x128xi32, #tpu.memory_space<vmem>>)
      tpu.yield
    }) : () -> ()
    %dma_start3A = arith.constant 0 : i32
    %dma_start3A_1 = arith.constant 0 : i32
    %dma_start3A_2 = arith.constant 0 : i32
    %dma_start3A_3 = arith.constant 0 : i32
    %dma_start3A_4 = tpu.memref_slice %arg6[%dma_start3A_1, %dma_start3A_2, %dma_start3A_3] : memref<5x128x128xf32, #tpu.memory_space<vmem>> -> memref<1x128x128xf32, #tpu.memory_space<vmem>>
    %dma_start3A_5 = tpu.memref_squeeze %dma_start3A_4 : memref<1x128x128xf32, #tpu.memory_space<vmem>> -> memref<128x128xf32, #tpu.memory_space<vmem>>
    %dma_start3A_6 = arith.constant 0 : i32
    %dma_start3A_7 = tpu.memref_slice %arg5[%dma_start3A, %dma_start3A_6] : memref<5x128xi32, #tpu.memory_space<vmem>> -> memref<1x128xi32, #tpu.memory_space<vmem>>
    %dma_start3A_8 = tpu.memref_squeeze %dma_start3A_7 : memref<1x128xi32, #tpu.memory_space<vmem>> -> memref<128xi32, #tpu.memory_space<vmem>>
    %dma_start3A_9 = arith.constant 0 : i32
    %dma_start3A_10 = arith.constant 0 : i32
    %dma_start3A_11 = tpu.memref_slice %arg2[%dma_start3A_9, %dma_start3A_10] : memref<100000x128xf32, #tpu.memory_space<hbm>> -> memref<100000x128xf32, #tpu.memory_space<hbm>>
    tpu.enqueue_indirect_dma source(%dma_start3A_11 : memref<100000x128xf32, #tpu.memory_space<hbm>>) target(%dma_start3A_5 : memref<128x128xf32, #tpu.memory_space<vmem>>) offsets(%dma_start3A_8 : memref<128xi32, #tpu.memory_space<vmem>>) semaphore(%arg7 : memref<!tpu.dma_semaphore, #tpu.memory_space<semaphore_mem>>)
    %dma_start3A_12 = arith.constant 1 : i32
    %dma_start3A_13 = arith.constant 1 : i32
    %dma_start3A_14 = arith.constant 0 : i32
    %dma_start3A_15 = arith.constant 0 : i32
    %dma_start3A_16 = tpu.memref_slice %arg6[%dma_start3A_13, %dma_start3A_14, %dma_start3A_15] : memref<5x128x128xf32, #tpu.memory_space<vmem>> -> memref<1x128x128xf32, #tpu.memory_space<vmem>>
    %dma_start3A_17 = tpu.memref_squeeze %dma_start3A_16 : memref<1x128x128xf32, #tpu.memory_space<vmem>> -> memref<128x128xf32, #tpu.memory_space<vmem>>
    %dma_start3A_18 = arith.constant 0 : i32
    %dma_start3A_19 = tpu.memref_slice %arg5[%dma_start3A_12, %dma_start3A_18] : memref<5x128xi32, #tpu.memory_space<vmem>> -> memref<1x128xi32, #tpu.memory_space<vmem>>
    %dma_start3A_20 = tpu.memref_squeeze %dma_start3A_19 : memref<1x128xi32, #tpu.memory_space<vmem>> -> memref<128xi32, #tpu.memory_space<vmem>>
    %dma_start3A_21 = arith.constant 0 : i32
    %dma_start3A_22 = arith.constant 0 : i32
    %dma_start3A_23 = tpu.memref_slice %arg2[%dma_start3A_21, %dma_start3A_22] : memref<100000x128xf32, #tpu.memory_space<hbm>> -> memref<100000x128xf32, #tpu.memory_space<hbm>>
    tpu.enqueue_indirect_dma source(%dma_start3A_23 : memref<100000x128xf32, #tpu.memory_space<hbm>>) target(%dma_start3A_17 : memref<128x128xf32, #tpu.memory_space<vmem>>) offsets(%dma_start3A_20 : memref<128xi32, #tpu.memory_space<vmem>>) semaphore(%arg7 : memref<!tpu.dma_semaphore, #tpu.memory_space<semaphore_mem>>)
    %dma_start3A_24 = arith.constant 2 : i32
    %dma_start3A_25 = arith.constant 2 : i32
    %dma_start3A_26 = arith.constant 0 : i32
    %dma_start3A_27 = arith.constant 0 : i32
    %dma_start3A_28 = tpu.memref_slice %arg6[%dma_start3A_25, %dma_start3A_26, %dma_start3A_27] : memref<5x128x128xf32, #tpu.memory_space<vmem>> -> memref<1x128x128xf32, #tpu.memory_space<vmem>>
    %dma_start3A_29 = tpu.memref_squeeze %dma_start3A_28 : memref<1x128x128xf32, #tpu.memory_space<vmem>> -> memref<128x128xf32, #tpu.memory_space<vmem>>
    %dma_start3A_30 = arith.constant 0 : i32
    %dma_start3A_31 = tpu.memref_slice %arg5[%dma_start3A_24, %dma_start3A_30] : memref<5x128xi32, #tpu.memory_space<vmem>> -> memref<1x128xi32, #tpu.memory_space<vmem>>
    %dma_start3A_32 = tpu.memref_squeeze %dma_start3A_31 : memref<1x128xi32, #tpu.memory_space<vmem>> -> memref<128xi32, #tpu.memory_space<vmem>>
    %dma_start3A_33 = arith.constant 0 : i32
    %dma_start3A_34 = arith.constant 0 : i32
    %dma_start3A_35 = tpu.memref_slice %arg2[%dma_start3A_33, %dma_start3A_34] : memref<100000x128xf32, #tpu.memory_space<hbm>> -> memref<100000x128xf32, #tpu.memory_space<hbm>>
    tpu.enqueue_indirect_dma source(%dma_start3A_35 : memref<100000x128xf32, #tpu.memory_space<hbm>>) target(%dma_start3A_29 : memref<128x128xf32, #tpu.memory_space<vmem>>) offsets(%dma_start3A_32 : memref<128xi32, #tpu.memory_space<vmem>>) semaphore(%arg7 : memref<!tpu.dma_semaphore, #tpu.memory_space<semaphore_mem>>)
    %dma_start3A_36 = arith.constant 3 : i32
    %dma_start3A_37 = arith.constant 3 : i32
    %dma_start3A_38 = arith.constant 0 : i32
    %dma_start3A_39 = arith.constant 0 : i32
    %dma_start3A_40 = tpu.memref_slice %arg6[%dma_start3A_37, %dma_start3A_38, %dma_start3A_39] : memref<5x128x128xf32, #tpu.memory_space<vmem>> -> memref<1x128x128xf32, #tpu.memory_space<vmem>>
    %dma_start3A_41 = tpu.memref_squeeze %dma_start3A_40 : memref<1x128x128xf32, #tpu.memory_space<vmem>> -> memref<128x128xf32, #tpu.memory_space<vmem>>
    %dma_start3A_42 = arith.constant 0 : i32
    %dma_start3A_43 = tpu.memref_slice %arg5[%dma_start3A_36, %dma_start3A_42] : memref<5x128xi32, #tpu.memory_space<vmem>> -> memref<1x128xi32, #tpu.memory_space<vmem>>
    %dma_start3A_44 = tpu.memref_squeeze %dma_start3A_43 : memref<1x128xi32, #tpu.memory_space<vmem>> -> memref<128xi32, #tpu.memory_space<vmem>>
    %dma_start3A_45 = arith.constant 0 : i32
    %dma_start3A_46 = arith.constant 0 : i32
    %dma_start3A_47 = tpu.memref_slice %arg2[%dma_start3A_45, %dma_start3A_46] : memref<100000x128xf32, #tpu.memory_space<hbm>> -> memref<100000x128xf32, #tpu.memory_space<hbm>>
    tpu.enqueue_indirect_dma source(%dma_start3A_47 : memref<100000x128xf32, #tpu.memory_space<hbm>>) target(%dma_start3A_41 : memref<128x128xf32, #tpu.memory_space<vmem>>) offsets(%dma_start3A_44 : memref<128xi32, #tpu.memory_space<vmem>>) semaphore(%arg7 : memref<!tpu.dma_semaphore, #tpu.memory_space<semaphore_mem>>)
    %dma_start3A_48 = arith.constant 4 : i32
    %dma_start3A_49 = arith.constant 4 : i32
    %dma_start3A_50 = arith.constant 0 : i32
    %dma_start3A_51 = arith.constant 0 : i32
    %dma_start3A_52 = tpu.memref_slice %arg6[%dma_start3A_49, %dma_start3A_50, %dma_start3A_51] : memref<5x128x128xf32, #tpu.memory_space<vmem>> -> memref<1x128x128xf32, #tpu.memory_space<vmem>>
    %dma_start3A_53 = tpu.memref_squeeze %dma_start3A_52 : memref<1x128x128xf32, #tpu.memory_space<vmem>> -> memref<128x128xf32, #tpu.memory_space<vmem>>
    %dma_start3A_54 = arith.constant 0 : i32
    %dma_start3A_55 = tpu.memref_slice %arg5[%dma_start3A_48, %dma_start3A_54] : memref<5x128xi32, #tpu.memory_space<vmem>> -> memref<1x128xi32, #tpu.memory_space<vmem>>
    %dma_start3A_56 = tpu.memref_squeeze %dma_start3A_55 : memref<1x128xi32, #tpu.memory_space<vmem>> -> memref<128xi32, #tpu.memory_space<vmem>>
    %dma_start3A_57 = arith.constant 0 : i32
    %dma_start3A_58 = arith.constant 0 : i32
    %dma_start3A_59 = tpu.memref_slice %arg2[%dma_start3A_57, %dma_start3A_58] : memref<100000x128xf32, #tpu.memory_space<hbm>> -> memref<100000x128xf32, #tpu.memory_space<hbm>>
    tpu.enqueue_indirect_dma source(%dma_start3A_59 : memref<100000x128xf32, #tpu.memory_space<hbm>>) target(%dma_start3A_53 : memref<128x128xf32, #tpu.memory_space<vmem>>) offsets(%dma_start3A_56 : memref<128xi32, #tpu.memory_space<vmem>>) semaphore(%arg7 : memref<!tpu.dma_semaphore, #tpu.memory_space<semaphore_mem>>)
    %dma_wait3A = arith.constant 0 : i32
    %dma_wait3A_60 = arith.constant 0 : i32
    %dma_wait3A_61 = arith.constant 0 : i32
    %dma_wait3A_62 = arith.constant 0 : i32
    %dma_wait3A_63 = tpu.memref_slice %arg6[%dma_wait3A_60, %dma_wait3A_61, %dma_wait3A_62] : memref<5x128x128xf32, #tpu.memory_space<vmem>> -> memref<1x128x128xf32, #tpu.memory_space<vmem>>
    %dma_wait3A_64 = tpu.memref_squeeze %dma_wait3A_63 : memref<1x128x128xf32, #tpu.memory_space<vmem>> -> memref<128x128xf32, #tpu.memory_space<vmem>>
    %dma_wait3A_65 = arith.constant 0 : i32
    %dma_wait3A_66 = tpu.memref_slice %arg5[%dma_wait3A, %dma_wait3A_65] : memref<5x128xi32, #tpu.memory_space<vmem>> -> memref<1x128xi32, #tpu.memory_space<vmem>>
    %dma_wait3A_67 = tpu.memref_squeeze %dma_wait3A_66 : memref<1x128xi32, #tpu.memory_space<vmem>> -> memref<128xi32, #tpu.memory_space<vmem>>
    %dma_wait3A_68 = arith.constant 0 : i32
    %dma_wait3A_69 = arith.constant 0 : i32
    %dma_wait3A_70 = tpu.memref_slice %arg2[%dma_wait3A_68, %dma_wait3A_69] : memref<100000x128xf32, #tpu.memory_space<hbm>> -> memref<100000x128xf32, #tpu.memory_space<hbm>>
    tpu.wait_indirect_dma semaphore(%arg7 : memref<!tpu.dma_semaphore, #tpu.memory_space<semaphore_mem>>) src(%dma_wait3A_70 : memref<100000x128xf32, #tpu.memory_space<hbm>>) dst(%dma_wait3A_64 : memref<128x128xf32, #tpu.memory_space<vmem>>)
    %dma_wait3A_71 = arith.constant 1 : i32
    %dma_wait3A_72 = arith.constant 1 : i32
    %dma_wait3A_73 = arith.constant 0 : i32
    %dma_wait3A_74 = arith.constant 0 : i32
    %dma_wait3A_75 = tpu.memref_slice %arg6[%dma_wait3A_72, %dma_wait3A_73, %dma_wait3A_74] : memref<5x128x128xf32, #tpu.memory_space<vmem>> -> memref<1x128x128xf32, #tpu.memory_space<vmem>>
    %dma_wait3A_76 = tpu.memref_squeeze %dma_wait3A_75 : memref<1x128x128xf32, #tpu.memory_space<vmem>> -> memref<128x128xf32, #tpu.memory_space<vmem>>
    %dma_wait3A_77 = arith.constant 0 : i32
    %dma_wait3A_78 = tpu.memref_slice %arg5[%dma_wait3A_71, %dma_wait3A_77] : memref<5x128xi32, #tpu.memory_space<vmem>> -> memref<1x128xi32, #tpu.memory_space<vmem>>
    %dma_wait3A_79 = tpu.memref_squeeze %dma_wait3A_78 : memref<1x128xi32, #tpu.memory_space<vmem>> -> memref<128xi32, #tpu.memory_space<vmem>>
    %dma_wait3A_80 = arith.constant 0 : i32
    %dma_wait3A_81 = arith.constant 0 : i32
    %dma_wait3A_82 = tpu.memref_slice %arg2[%dma_wait3A_80, %dma_wait3A_81] : memref<100000x128xf32, #tpu.memory_space<hbm>> -> memref<100000x128xf32, #tpu.memory_space<hbm>>
    tpu.wait_indirect_dma semaphore(%arg7 : memref<!tpu.dma_semaphore, #tpu.memory_space<semaphore_mem>>) src(%dma_wait3A_82 : memref<100000x128xf32, #tpu.memory_space<hbm>>) dst(%dma_wait3A_76 : memref<128x128xf32, #tpu.memory_space<vmem>>)
    %dma_wait3A_83 = arith.constant 2 : i32
    %dma_wait3A_84 = arith.constant 2 : i32
    %dma_wait3A_85 = arith.constant 0 : i32
    %dma_wait3A_86 = arith.constant 0 : i32
    %dma_wait3A_87 = tpu.memref_slice %arg6[%dma_wait3A_84, %dma_wait3A_85, %dma_wait3A_86] : memref<5x128x128xf32, #tpu.memory_space<vmem>> -> memref<1x128x128xf32, #tpu.memory_space<vmem>>
    %dma_wait3A_88 = tpu.memref_squeeze %dma_wait3A_87 : memref<1x128x128xf32, #tpu.memory_space<vmem>> -> memref<128x128xf32, #tpu.memory_space<vmem>>
    %dma_wait3A_89 = arith.constant 0 : i32
    %dma_wait3A_90 = tpu.memref_slice %arg5[%dma_wait3A_83, %dma_wait3A_89] : memref<5x128xi32, #tpu.memory_space<vmem>> -> memref<1x128xi32, #tpu.memory_space<vmem>>
    %dma_wait3A_91 = tpu.memref_squeeze %dma_wait3A_90 : memref<1x128xi32, #tpu.memory_space<vmem>> -> memref<128xi32, #tpu.memory_space<vmem>>
    %dma_wait3A_92 = arith.constant 0 : i32
    %dma_wait3A_93 = arith.constant 0 : i32
    %dma_wait3A_94 = tpu.memref_slice %arg2[%dma_wait3A_92, %dma_wait3A_93] : memref<100000x128xf32, #tpu.memory_space<hbm>> -> memref<100000x128xf32, #tpu.memory_space<hbm>>
    tpu.wait_indirect_dma semaphore(%arg7 : memref<!tpu.dma_semaphore, #tpu.memory_space<semaphore_mem>>) src(%dma_wait3A_94 : memref<100000x128xf32, #tpu.memory_space<hbm>>) dst(%dma_wait3A_88 : memref<128x128xf32, #tpu.memory_space<vmem>>)
    %dma_wait3A_95 = arith.constant 3 : i32
    %dma_wait3A_96 = arith.constant 3 : i32
    %dma_wait3A_97 = arith.constant 0 : i32
    %dma_wait3A_98 = arith.constant 0 : i32
    %dma_wait3A_99 = tpu.memref_slice %arg6[%dma_wait3A_96, %dma_wait3A_97, %dma_wait3A_98] : memref<5x128x128xf32, #tpu.memory_space<vmem>> -> memref<1x128x128xf32, #tpu.memory_space<vmem>>
    %dma_wait3A_100 = tpu.memref_squeeze %dma_wait3A_99 : memref<1x128x128xf32, #tpu.memory_space<vmem>> -> memref<128x128xf32, #tpu.memory_space<vmem>>
    %dma_wait3A_101 = arith.constant 0 : i32
    %dma_wait3A_102 = tpu.memref_slice %arg5[%dma_wait3A_95, %dma_wait3A_101] : memref<5x128xi32, #tpu.memory_space<vmem>> -> memref<1x128xi32, #tpu.memory_space<vmem>>
    %dma_wait3A_103 = tpu.memref_squeeze %dma_wait3A_102 : memref<1x128xi32, #tpu.memory_space<vmem>> -> memref<128xi32, #tpu.memory_space<vmem>>
    %dma_wait3A_104 = arith.constant 0 : i32
    %dma_wait3A_105 = arith.constant 0 : i32
    %dma_wait3A_106 = tpu.memref_slice %arg2[%dma_wait3A_104, %dma_wait3A_105] : memref<100000x128xf32, #tpu.memory_space<hbm>> -> memref<100000x128xf32, #tpu.memory_space<hbm>>
    tpu.wait_indirect_dma semaphore(%arg7 : memref<!tpu.dma_semaphore, #tpu.memory_space<semaphore_mem>>) src(%dma_wait3A_106 : memref<100000x128xf32, #tpu.memory_space<hbm>>) dst(%dma_wait3A_100 : memref<128x128xf32, #tpu.memory_space<vmem>>)
    %dma_wait3A_107 = arith.constant 4 : i32
    %dma_wait3A_108 = arith.constant 4 : i32
    %dma_wait3A_109 = arith.constant 0 : i32
    %dma_wait3A_110 = arith.constant 0 : i32
    %dma_wait3A_111 = tpu.memref_slice %arg6[%dma_wait3A_108, %dma_wait3A_109, %dma_wait3A_110] : memref<5x128x128xf32, #tpu.memory_space<vmem>> -> memref<1x128x128xf32, #tpu.memory_space<vmem>>
    %dma_wait3A_112 = tpu.memref_squeeze %dma_wait3A_111 : memref<1x128x128xf32, #tpu.memory_space<vmem>> -> memref<128x128xf32, #tpu.memory_space<vmem>>
    %dma_wait3A_113 = arith.constant 0 : i32
    %dma_wait3A_114 = tpu.memref_slice %arg5[%dma_wait3A_107, %dma_wait3A_113] : memref<5x128xi32, #tpu.memory_space<vmem>> -> memref<1x128xi32, #tpu.memory_space<vmem>>
    %dma_wait3A_115 = tpu.memref_squeeze %dma_wait3A_114 : memref<1x128xi32, #tpu.memory_space<vmem>> -> memref<128xi32, #tpu.memory_space<vmem>>
    %dma_wait3A_116 = arith.constant 0 : i32
    %dma_wait3A_117 = arith.constant 0 : i32
    %dma_wait3A_118 = tpu.memref_slice %arg2[%dma_wait3A_116, %dma_wait3A_117] : memref<100000x128xf32, #tpu.memory_space<hbm>> -> memref<100000x128xf32, #tpu.memory_space<hbm>>
    tpu.wait_indirect_dma semaphore(%arg7 : memref<!tpu.dma_semaphore, #tpu.memory_space<semaphore_mem>>) src(%dma_wait3A_118 : memref<100000x128xf32, #tpu.memory_space<hbm>>) dst(%dma_wait3A_112 : memref<128x128xf32, #tpu.memory_space<vmem>>)
    "tpu.region"() ({
      %run_scoped3A = tpu.sem_alloc : memref<!tpu.dma_semaphore, #tpu.memory_space<semaphore_mem>>
      %dma_start3A_119 = arith.constant 0 : i32
      %dma_start3A_120 = arith.constant 0 : i32
      %dma_start3A_121 = arith.constant 0 : i32
      %dma_start3A_122 = tpu.memref_slice %arg4[%add3A, %dma_start3A_119, %dma_start3A_120, %dma_start3A_121] : memref<32x5x128x128xf32, #tpu.memory_space<hbm>> -> memref<1x5x128x128xf32, #tpu.memory_space<hbm>>
      %dma_start3A_123 = tpu.memref_squeeze %dma_start3A_122 : memref<1x5x128x128xf32, #tpu.memory_space<hbm>> -> memref<5x128x128xf32, #tpu.memory_space<hbm>>
      %dma_start3A_124 = arith.constant 0 : i32
      %dma_start3A_125 = arith.constant 0 : i32
      %dma_start3A_126 = arith.constant 0 : i32
      %dma_start3A_127 = tpu.memref_slice %arg4[%add3A, %dma_start3A_124, %dma_start3A_125, %dma_start3A_126] : memref<32x5x128x128xf32, #tpu.memory_space<hbm>> -> memref<1x5x128x128xf32, #tpu.memory_space<hbm>>
      %dma_start3A_128 = tpu.memref_squeeze %dma_start3A_127 : memref<1x5x128x128xf32, #tpu.memory_space<hbm>> -> memref<5x128x128xf32, #tpu.memory_space<hbm>>
      tpu.enqueue_dma source(%arg6 : memref<5x128x128xf32, #tpu.memory_space<vmem>>) target(%dma_start3A_128 : memref<5x128x128xf32, #tpu.memory_space<hbm>>) target_semaphore(%run_scoped3A : memref<!tpu.dma_semaphore, #tpu.memory_space<semaphore_mem>>)
      %dma_wait3A_129 = arith.constant 0 : i32
      %dma_wait3A_130 = arith.constant 0 : i32
      %dma_wait3A_131 = arith.constant 0 : i32
      %dma_wait3A_132 = tpu.memref_slice %arg4[%add3A, %dma_wait3A_129, %dma_wait3A_130, %dma_wait3A_131] : memref<32x5x128x128xf32, #tpu.memory_space<hbm>> -> memref<1x5x128x128xf32, #tpu.memory_space<hbm>>
      %dma_wait3A_133 = tpu.memref_squeeze %dma_wait3A_132 : memref<1x5x128x128xf32, #tpu.memory_space<hbm>> -> memref<5x128x128xf32, #tpu.memory_space<hbm>>
      %dma_wait3A_134 = arith.constant 0 : i32
      %dma_wait3A_135 = arith.constant 0 : i32
      %dma_wait3A_136 = arith.constant 0 : i32
      %dma_wait3A_137 = tpu.memref_slice %arg4[%add3A, %dma_wait3A_134, %dma_wait3A_135, %dma_wait3A_136] : memref<32x5x128x128xf32, #tpu.memory_space<hbm>> -> memref<1x5x128x128xf32, #tpu.memory_space<hbm>>
      %dma_wait3A_138 = tpu.memref_squeeze %dma_wait3A_137 : memref<1x5x128x128xf32, #tpu.memory_space<hbm>> -> memref<5x128x128xf32, #tpu.memory_space<hbm>>
      tpu.wait_dma2 semaphore(%run_scoped3A : memref<!tpu.dma_semaphore, #tpu.memory_space<semaphore_mem>>) src(%arg6 : memref<5x128x128xf32, #tpu.memory_space<vmem>>) dst(%dma_wait3A_138 : memref<5x128x128xf32, #tpu.memory_space<hbm>>)
      tpu.yield
    }) : () -> ()
    return
  }
}

module attributes {stable_mosaic.version = 14 : i64} {
  func.func @_gru_body(%arg0: i32, %arg1: memref<20x256x128xf32, #tpu.memory_space<vmem>>, %arg2: memref<256x1xi32, #tpu.memory_space<vmem>>, %arg3: memref<1536x128xf32, #tpu.memory_space<vmem>>, %arg4: memref<1536x512xf32, #tpu.memory_space<vmem>>, %arg5: memref<1x1536xf32, #tpu.memory_space<vmem>>, %arg6: memref<1x1536xf32, #tpu.memory_space<vmem>>, %arg7: memref<256x512xf32, #tpu.memory_space<vmem>>) attributes {dimension_semantics = [#tpu.dimension_semantics<arbitrary>], iteration_bounds = array<i64: 4>, scalar_prefetch = 0 : i64, scratch_operands = 0 : i64, tpu.core_type = #tpu.core_type<tc>, window_params = [{transform_indices = @transform_0, window_bounds = array<i64: 20, 256, 128>}, {transform_indices = @transform_1, window_bounds = array<i64: 256, 1>}, {pipeline_mode = #tpu.pipeline_mode<synchronous>, transform_indices = @transform_2, window_bounds = array<i64: 1536, 128>}, {pipeline_mode = #tpu.pipeline_mode<synchronous>, transform_indices = @transform_3, window_bounds = array<i64: 1536, 512>}, {pipeline_mode = #tpu.pipeline_mode<synchronous>, transform_indices = @transform_4, window_bounds = array<i64: 1, 1536>}, {pipeline_mode = #tpu.pipeline_mode<synchronous>, transform_indices = @transform_5, window_bounds = array<i64: 1, 1536>}, {transform_indices = @transform_6, window_bounds = array<i64: 256, 512>}]} {
    %get3A = arith.constant 0 : index
    %get3A_0 = arith.constant 0 : index
    %get3A_1 = vector.load %arg3[%get3A, %get3A_0] : memref<1536x128xf32, #tpu.memory_space<vmem>>, vector<1536x128xf32>
    %get3A_2 = arith.constant 0 : index
    %get3A_3 = arith.constant 0 : index
    %get3A_4 = vector.load %arg4[%get3A_2, %get3A_3] : memref<1536x512xf32, #tpu.memory_space<vmem>>, vector<1536x512xf32>
    %get3A_5 = arith.constant 0 : index
    %get3A_6 = arith.constant 0 : index
    %get3A_7 = vector.load %arg5[%get3A_5, %get3A_6] : memref<1x1536xf32, #tpu.memory_space<vmem>>, vector<1x1536xf32>
    %get3A_8 = arith.constant 0 : index
    %get3A_9 = arith.constant 0 : index
    %get3A_10 = vector.load %arg6[%get3A_8, %get3A_9] : memref<1x1536xf32, #tpu.memory_space<vmem>>, vector<1x1536xf32>
    %get3A_11 = arith.constant 0 : index
    %get3A_12 = arith.constant 0 : index
    %get3A_13 = vector.load %arg2[%get3A_11, %get3A_12] : memref<256x1xi32, #tpu.memory_space<vmem>>, vector<256x1xi32>
    %broadcast_in_dim3A = arith.constant 0.000000e+00 : f32
    %broadcast_in_dim3A_14 = vector.broadcast %broadcast_in_dim3A : f32 to vector<256x512xf32>
    %broadcast_in_dim3A_15 = arith.constant -3.40282347E+38 : f32
    %broadcast_in_dim3A_16 = vector.broadcast %broadcast_in_dim3A_15 : f32 to vector<256x512xf32>
    %convert_element_type3A = arith.truncf %get3A_1 : vector<1536x128xf32> to vector<1536x128xbf16>
    %convert_element_type3A_17 = arith.truncf %get3A_4 : vector<1536x512xf32> to vector<1536x512xbf16>
    %slice3A = vector.extract_strided_slice %get3A_7 {offsets = [0, 0], sizes = [1, 1024], strides = [1, 1]} : vector<1x1536xf32> to vector<1x1024xf32>
    %slice3A_18 = vector.extract_strided_slice %get3A_10 {offsets = [0, 0], sizes = [1, 1024], strides = [1, 1]} : vector<1x1536xf32> to vector<1x1024xf32>
    %add3A = arith.addf %slice3A, %slice3A_18 : vector<1x1024xf32>
    %slice3A_19 = vector.extract_strided_slice %get3A_7 {offsets = [0, 1024], sizes = [1, 512], strides = [1, 1]} : vector<1x1536xf32> to vector<1x512xf32>
    %slice3A_20 = vector.extract_strided_slice %get3A_10 {offsets = [0, 1024], sizes = [1, 512], strides = [1, 1]} : vector<1x1536xf32> to vector<1x512xf32>
    %get3A_21 = arith.constant 0 : index
    %get3A_22 = arith.constant 0 : index
    %get3A_23 = arith.constant 0 : index
    %get3A_24 = vector.load %arg1[%get3A_21, %get3A_22, %get3A_23] : memref<20x256x128xf32, #tpu.memory_space<vmem>>, vector<1x256x128xf32>
    %get3A_25 = vector.shape_cast %get3A_24 : vector<1x256x128xf32> to vector<256x128xf32>
    %convert_element_type3A_26 = arith.truncf %get3A_25 : vector<256x128xf32> to vector<256x128xbf16>
    %dot_general3A = arith.constant dense<0.000000e+00> : vector<256x1536xf32>
    %dot_general3A_27 = tpu.matmul %convert_element_type3A_26, %convert_element_type3A, %dot_general3A {dimension_numbers = #tpu.dot_dimension_numbers<[1], [1], [0], [0], [0, 0, 1, 0], [], []>, transpose_lhs_hint = false} : vector<256x128xbf16>, vector<1536x128xbf16>, vector<256x1536xf32> -> vector<256x1536xf32>
    %convert_element_type3A_28 = arith.truncf %broadcast_in_dim3A_14 : vector<256x512xf32> to vector<256x512xbf16>
    %dot_general3A_29 = arith.constant dense<0.000000e+00> : vector<256x1536xf32>
    %dot_general3A_30 = tpu.matmul %convert_element_type3A_28, %convert_element_type3A_17, %dot_general3A_29 {dimension_numbers = #tpu.dot_dimension_numbers<[1], [1], [0], [0], [0, 0, 1, 0], [], []>, transpose_lhs_hint = false} : vector<256x512xbf16>, vector<1536x512xbf16>, vector<256x1536xf32> -> vector<256x1536xf32>
    %slice3A_31 = vector.extract_strided_slice %dot_general3A_27 {offsets = [0, 0], sizes = [256, 1024], strides = [1, 1]} : vector<256x1536xf32> to vector<256x1024xf32>
    %slice3A_32 = vector.extract_strided_slice %dot_general3A_30 {offsets = [0, 0], sizes = [256, 1024], strides = [1, 1]} : vector<256x1536xf32> to vector<256x1024xf32>
    %add3A_33 = arith.addf %slice3A_31, %slice3A_32 : vector<256x1024xf32>
    %add3A_34 = vector.broadcast %add3A : vector<1x1024xf32> to vector<256x1024xf32>
    %add3A_35 = arith.addf %add3A_33, %add3A_34 : vector<256x1024xf32>
    %logistic3A = arith.negf %add3A_35 : vector<256x1024xf32>
    %logistic3A_36 = math.exp %logistic3A : vector<256x1024xf32>
    %logistic3A_37 = arith.constant 1.000000e+00 : f32
    %logistic3A_38 = vector.broadcast %logistic3A_37 : f32 to vector<256x1024xf32>
    %logistic3A_39 = arith.addf %logistic3A_38, %logistic3A_36 : vector<256x1024xf32>
    %logistic3A_40 = arith.divf %logistic3A_38, %logistic3A_39 : vector<256x1024xf32>
    %slice3A_41 = vector.extract_strided_slice %logistic3A_40 {offsets = [0, 0], sizes = [256, 512], strides = [1, 1]} : vector<256x1024xf32> to vector<256x512xf32>
    %slice3A_42 = vector.extract_strided_slice %logistic3A_40 {offsets = [0, 512], sizes = [256, 512], strides = [1, 1]} : vector<256x1024xf32> to vector<256x512xf32>
    %slice3A_43 = vector.extract_strided_slice %dot_general3A_27 {offsets = [0, 1024], sizes = [256, 512], strides = [1, 1]} : vector<256x1536xf32> to vector<256x512xf32>
    %add3A_44 = vector.broadcast %slice3A_19 : vector<1x512xf32> to vector<256x512xf32>
    %add3A_45 = arith.addf %slice3A_43, %add3A_44 : vector<256x512xf32>
    %slice3A_46 = vector.extract_strided_slice %dot_general3A_30 {offsets = [0, 1024], sizes = [256, 512], strides = [1, 1]} : vector<256x1536xf32> to vector<256x512xf32>
    %add3A_47 = vector.broadcast %slice3A_20 : vector<1x512xf32> to vector<256x512xf32>
    %add3A_48 = arith.addf %slice3A_46, %add3A_47 : vector<256x512xf32>
    %mul3A = arith.mulf %slice3A_41, %add3A_48 : vector<256x512xf32>
    %add3A_49 = arith.addf %add3A_45, %mul3A : vector<256x512xf32>
    %tanh3A = math.tanh %add3A_49 : vector<256x512xf32>
    %sub3A = arith.subf %broadcast_in_dim3A_14, %tanh3A : vector<256x512xf32>
    %mul3A_50 = arith.mulf %slice3A_42, %sub3A : vector<256x512xf32>
    %add3A_51 = arith.addf %tanh3A, %mul3A_50 : vector<256x512xf32>
    %gt3A = arith.constant 0 : i32
    %gt3A_52 = vector.broadcast %gt3A : i32 to vector<256x1xi32>
    %gt3A_53 = arith.cmpi sgt, %get3A_13, %gt3A_52 : vector<256x1xi32>
    %max3A = arith.maximumf %broadcast_in_dim3A_16, %add3A_51 : vector<256x512xf32>
    %broadcast_in_dim3A_54 = vector.shape_cast %gt3A_53 : vector<256x1xi1> to vector<256x1xi1>
    %broadcast_in_dim3A_55 = vector.broadcast %broadcast_in_dim3A_54 : vector<256x1xi1> to vector<256x512xi1>
    %select_n3A = arith.select %broadcast_in_dim3A_55, %max3A, %broadcast_in_dim3A_16 : vector<256x512xi1>, vector<256x512xf32>
    %get3A_56 = arith.constant 1 : index
    %get3A_57 = arith.constant 0 : index
    %get3A_58 = arith.constant 0 : index
    %get3A_59 = vector.load %arg1[%get3A_56, %get3A_57, %get3A_58] : memref<20x256x128xf32, #tpu.memory_space<vmem>>, vector<1x256x128xf32>
    %get3A_60 = vector.shape_cast %get3A_59 : vector<1x256x128xf32> to vector<256x128xf32>
    %convert_element_type3A_61 = arith.truncf %get3A_60 : vector<256x128xf32> to vector<256x128xbf16>
    %dot_general3A_62 = arith.constant dense<0.000000e+00> : vector<256x1536xf32>
    %dot_general3A_63 = tpu.matmul %convert_element_type3A_61, %convert_element_type3A, %dot_general3A_62 {dimension_numbers = #tpu.dot_dimension_numbers<[1], [1], [0], [0], [0, 0, 1, 0], [], []>, transpose_lhs_hint = false} : vector<256x128xbf16>, vector<1536x128xbf16>, vector<256x1536xf32> -> vector<256x1536xf32>
    %convert_element_type3A_64 = arith.truncf %add3A_51 : vector<256x512xf32> to vector<256x512xbf16>
    %dot_general3A_65 = arith.constant dense<0.000000e+00> : vector<256x1536xf32>
    %dot_general3A_66 = tpu.matmul %convert_element_type3A_64, %convert_element_type3A_17, %dot_general3A_65 {dimension_numbers = #tpu.dot_dimension_numbers<[1], [1], [0], [0], [0, 0, 1, 0], [], []>, transpose_lhs_hint = false} : vector<256x512xbf16>, vector<1536x512xbf16>, vector<256x1536xf32> -> vector<256x1536xf32>
    %slice3A_67 = vector.extract_strided_slice %dot_general3A_63 {offsets = [0, 0], sizes = [256, 1024], strides = [1, 1]} : vector<256x1536xf32> to vector<256x1024xf32>
    %slice3A_68 = vector.extract_strided_slice %dot_general3A_66 {offsets = [0, 0], sizes = [256, 1024], strides = [1, 1]} : vector<256x1536xf32> to vector<256x1024xf32>
    %add3A_69 = arith.addf %slice3A_67, %slice3A_68 : vector<256x1024xf32>
    %add3A_70 = vector.broadcast %add3A : vector<1x1024xf32> to vector<256x1024xf32>
    %add3A_71 = arith.addf %add3A_69, %add3A_70 : vector<256x1024xf32>
    %logistic3A_72 = arith.negf %add3A_71 : vector<256x1024xf32>
    %logistic3A_73 = math.exp %logistic3A_72 : vector<256x1024xf32>
    %logistic3A_74 = arith.constant 1.000000e+00 : f32
    %logistic3A_75 = vector.broadcast %logistic3A_74 : f32 to vector<256x1024xf32>
    %logistic3A_76 = arith.addf %logistic3A_75, %logistic3A_73 : vector<256x1024xf32>
    %logistic3A_77 = arith.divf %logistic3A_75, %logistic3A_76 : vector<256x1024xf32>
    %slice3A_78 = vector.extract_strided_slice %logistic3A_77 {offsets = [0, 0], sizes = [256, 512], strides = [1, 1]} : vector<256x1024xf32> to vector<256x512xf32>
    %slice3A_79 = vector.extract_strided_slice %logistic3A_77 {offsets = [0, 512], sizes = [256, 512], strides = [1, 1]} : vector<256x1024xf32> to vector<256x512xf32>
    %slice3A_80 = vector.extract_strided_slice %dot_general3A_63 {offsets = [0, 1024], sizes = [256, 512], strides = [1, 1]} : vector<256x1536xf32> to vector<256x512xf32>
    %add3A_81 = vector.broadcast %slice3A_19 : vector<1x512xf32> to vector<256x512xf32>
    %add3A_82 = arith.addf %slice3A_80, %add3A_81 : vector<256x512xf32>
    %slice3A_83 = vector.extract_strided_slice %dot_general3A_66 {offsets = [0, 1024], sizes = [256, 512], strides = [1, 1]} : vector<256x1536xf32> to vector<256x512xf32>
    %add3A_84 = vector.broadcast %slice3A_20 : vector<1x512xf32> to vector<256x512xf32>
    %add3A_85 = arith.addf %slice3A_83, %add3A_84 : vector<256x512xf32>
    %mul3A_86 = arith.mulf %slice3A_78, %add3A_85 : vector<256x512xf32>
    %add3A_87 = arith.addf %add3A_82, %mul3A_86 : vector<256x512xf32>
    %tanh3A_88 = math.tanh %add3A_87 : vector<256x512xf32>
    %sub3A_89 = arith.subf %add3A_51, %tanh3A_88 : vector<256x512xf32>
    %mul3A_90 = arith.mulf %slice3A_79, %sub3A_89 : vector<256x512xf32>
    %add3A_91 = arith.addf %tanh3A_88, %mul3A_90 : vector<256x512xf32>
    %gt3A_92 = arith.constant 1 : i32
    %gt3A_93 = vector.broadcast %gt3A_92 : i32 to vector<256x1xi32>
    %gt3A_94 = arith.cmpi sgt, %get3A_13, %gt3A_93 : vector<256x1xi32>
    %max3A_95 = arith.maximumf %select_n3A, %add3A_91 : vector<256x512xf32>
    %broadcast_in_dim3A_96 = vector.shape_cast %gt3A_94 : vector<256x1xi1> to vector<256x1xi1>
    %broadcast_in_dim3A_97 = vector.broadcast %broadcast_in_dim3A_96 : vector<256x1xi1> to vector<256x512xi1>
    %select_n3A_98 = arith.select %broadcast_in_dim3A_97, %max3A_95, %select_n3A : vector<256x512xi1>, vector<256x512xf32>
    %get3A_99 = arith.constant 2 : index
    %get3A_100 = arith.constant 0 : index
    %get3A_101 = arith.constant 0 : index
    %get3A_102 = vector.load %arg1[%get3A_99, %get3A_100, %get3A_101] : memref<20x256x128xf32, #tpu.memory_space<vmem>>, vector<1x256x128xf32>
    %get3A_103 = vector.shape_cast %get3A_102 : vector<1x256x128xf32> to vector<256x128xf32>
    %convert_element_type3A_104 = arith.truncf %get3A_103 : vector<256x128xf32> to vector<256x128xbf16>
    %dot_general3A_105 = arith.constant dense<0.000000e+00> : vector<256x1536xf32>
    %dot_general3A_106 = tpu.matmul %convert_element_type3A_104, %convert_element_type3A, %dot_general3A_105 {dimension_numbers = #tpu.dot_dimension_numbers<[1], [1], [0], [0], [0, 0, 1, 0], [], []>, transpose_lhs_hint = false} : vector<256x128xbf16>, vector<1536x128xbf16>, vector<256x1536xf32> -> vector<256x1536xf32>
    %convert_element_type3A_107 = arith.truncf %add3A_91 : vector<256x512xf32> to vector<256x512xbf16>
    %dot_general3A_108 = arith.constant dense<0.000000e+00> : vector<256x1536xf32>
    %dot_general3A_109 = tpu.matmul %convert_element_type3A_107, %convert_element_type3A_17, %dot_general3A_108 {dimension_numbers = #tpu.dot_dimension_numbers<[1], [1], [0], [0], [0, 0, 1, 0], [], []>, transpose_lhs_hint = false} : vector<256x512xbf16>, vector<1536x512xbf16>, vector<256x1536xf32> -> vector<256x1536xf32>
    %slice3A_110 = vector.extract_strided_slice %dot_general3A_106 {offsets = [0, 0], sizes = [256, 1024], strides = [1, 1]} : vector<256x1536xf32> to vector<256x1024xf32>
    %slice3A_111 = vector.extract_strided_slice %dot_general3A_109 {offsets = [0, 0], sizes = [256, 1024], strides = [1, 1]} : vector<256x1536xf32> to vector<256x1024xf32>
    %add3A_112 = arith.addf %slice3A_110, %slice3A_111 : vector<256x1024xf32>
    %add3A_113 = vector.broadcast %add3A : vector<1x1024xf32> to vector<256x1024xf32>
    %add3A_114 = arith.addf %add3A_112, %add3A_113 : vector<256x1024xf32>
    %logistic3A_115 = arith.negf %add3A_114 : vector<256x1024xf32>
    %logistic3A_116 = math.exp %logistic3A_115 : vector<256x1024xf32>
    %logistic3A_117 = arith.constant 1.000000e+00 : f32
    %logistic3A_118 = vector.broadcast %logistic3A_117 : f32 to vector<256x1024xf32>
    %logistic3A_119 = arith.addf %logistic3A_118, %logistic3A_116 : vector<256x1024xf32>
    %logistic3A_120 = arith.divf %logistic3A_118, %logistic3A_119 : vector<256x1024xf32>
    %slice3A_121 = vector.extract_strided_slice %logistic3A_120 {offsets = [0, 0], sizes = [256, 512], strides = [1, 1]} : vector<256x1024xf32> to vector<256x512xf32>
    %slice3A_122 = vector.extract_strided_slice %logistic3A_120 {offsets = [0, 512], sizes = [256, 512], strides = [1, 1]} : vector<256x1024xf32> to vector<256x512xf32>
    %slice3A_123 = vector.extract_strided_slice %dot_general3A_106 {offsets = [0, 1024], sizes = [256, 512], strides = [1, 1]} : vector<256x1536xf32> to vector<256x512xf32>
    %add3A_124 = vector.broadcast %slice3A_19 : vector<1x512xf32> to vector<256x512xf32>
    %add3A_125 = arith.addf %slice3A_123, %add3A_124 : vector<256x512xf32>
    %slice3A_126 = vector.extract_strided_slice %dot_general3A_109 {offsets = [0, 1024], sizes = [256, 512], strides = [1, 1]} : vector<256x1536xf32> to vector<256x512xf32>
    %add3A_127 = vector.broadcast %slice3A_20 : vector<1x512xf32> to vector<256x512xf32>
    %add3A_128 = arith.addf %slice3A_126, %add3A_127 : vector<256x512xf32>
    %mul3A_129 = arith.mulf %slice3A_121, %add3A_128 : vector<256x512xf32>
    %add3A_130 = arith.addf %add3A_125, %mul3A_129 : vector<256x512xf32>
    %tanh3A_131 = math.tanh %add3A_130 : vector<256x512xf32>
    %sub3A_132 = arith.subf %add3A_91, %tanh3A_131 : vector<256x512xf32>
    %mul3A_133 = arith.mulf %slice3A_122, %sub3A_132 : vector<256x512xf32>
    %add3A_134 = arith.addf %tanh3A_131, %mul3A_133 : vector<256x512xf32>
    %gt3A_135 = arith.constant 2 : i32
    %gt3A_136 = vector.broadcast %gt3A_135 : i32 to vector<256x1xi32>
    %gt3A_137 = arith.cmpi sgt, %get3A_13, %gt3A_136 : vector<256x1xi32>
    %max3A_138 = arith.maximumf %select_n3A_98, %add3A_134 : vector<256x512xf32>
    %broadcast_in_dim3A_139 = vector.shape_cast %gt3A_137 : vector<256x1xi1> to vector<256x1xi1>
    %broadcast_in_dim3A_140 = vector.broadcast %broadcast_in_dim3A_139 : vector<256x1xi1> to vector<256x512xi1>
    %select_n3A_141 = arith.select %broadcast_in_dim3A_140, %max3A_138, %select_n3A_98 : vector<256x512xi1>, vector<256x512xf32>
    %get3A_142 = arith.constant 3 : index
    %get3A_143 = arith.constant 0 : index
    %get3A_144 = arith.constant 0 : index
    %get3A_145 = vector.load %arg1[%get3A_142, %get3A_143, %get3A_144] : memref<20x256x128xf32, #tpu.memory_space<vmem>>, vector<1x256x128xf32>
    %get3A_146 = vector.shape_cast %get3A_145 : vector<1x256x128xf32> to vector<256x128xf32>
    %convert_element_type3A_147 = arith.truncf %get3A_146 : vector<256x128xf32> to vector<256x128xbf16>
    %dot_general3A_148 = arith.constant dense<0.000000e+00> : vector<256x1536xf32>
    %dot_general3A_149 = tpu.matmul %convert_element_type3A_147, %convert_element_type3A, %dot_general3A_148 {dimension_numbers = #tpu.dot_dimension_numbers<[1], [1], [0], [0], [0, 0, 1, 0], [], []>, transpose_lhs_hint = false} : vector<256x128xbf16>, vector<1536x128xbf16>, vector<256x1536xf32> -> vector<256x1536xf32>
    %convert_element_type3A_150 = arith.truncf %add3A_134 : vector<256x512xf32> to vector<256x512xbf16>
    %dot_general3A_151 = arith.constant dense<0.000000e+00> : vector<256x1536xf32>
    %dot_general3A_152 = tpu.matmul %convert_element_type3A_150, %convert_element_type3A_17, %dot_general3A_151 {dimension_numbers = #tpu.dot_dimension_numbers<[1], [1], [0], [0], [0, 0, 1, 0], [], []>, transpose_lhs_hint = false} : vector<256x512xbf16>, vector<1536x512xbf16>, vector<256x1536xf32> -> vector<256x1536xf32>
    %slice3A_153 = vector.extract_strided_slice %dot_general3A_149 {offsets = [0, 0], sizes = [256, 1024], strides = [1, 1]} : vector<256x1536xf32> to vector<256x1024xf32>
    %slice3A_154 = vector.extract_strided_slice %dot_general3A_152 {offsets = [0, 0], sizes = [256, 1024], strides = [1, 1]} : vector<256x1536xf32> to vector<256x1024xf32>
    %add3A_155 = arith.addf %slice3A_153, %slice3A_154 : vector<256x1024xf32>
    %add3A_156 = vector.broadcast %add3A : vector<1x1024xf32> to vector<256x1024xf32>
    %add3A_157 = arith.addf %add3A_155, %add3A_156 : vector<256x1024xf32>
    %logistic3A_158 = arith.negf %add3A_157 : vector<256x1024xf32>
    %logistic3A_159 = math.exp %logistic3A_158 : vector<256x1024xf32>
    %logistic3A_160 = arith.constant 1.000000e+00 : f32
    %logistic3A_161 = vector.broadcast %logistic3A_160 : f32 to vector<256x1024xf32>
    %logistic3A_162 = arith.addf %logistic3A_161, %logistic3A_159 : vector<256x1024xf32>
    %logistic3A_163 = arith.divf %logistic3A_161, %logistic3A_162 : vector<256x1024xf32>
    %slice3A_164 = vector.extract_strided_slice %logistic3A_163 {offsets = [0, 0], sizes = [256, 512], strides = [1, 1]} : vector<256x1024xf32> to vector<256x512xf32>
    %slice3A_165 = vector.extract_strided_slice %logistic3A_163 {offsets = [0, 512], sizes = [256, 512], strides = [1, 1]} : vector<256x1024xf32> to vector<256x512xf32>
    %slice3A_166 = vector.extract_strided_slice %dot_general3A_149 {offsets = [0, 1024], sizes = [256, 512], strides = [1, 1]} : vector<256x1536xf32> to vector<256x512xf32>
    %add3A_167 = vector.broadcast %slice3A_19 : vector<1x512xf32> to vector<256x512xf32>
    %add3A_168 = arith.addf %slice3A_166, %add3A_167 : vector<256x512xf32>
    %slice3A_169 = vector.extract_strided_slice %dot_general3A_152 {offsets = [0, 1024], sizes = [256, 512], strides = [1, 1]} : vector<256x1536xf32> to vector<256x512xf32>
    %add3A_170 = vector.broadcast %slice3A_20 : vector<1x512xf32> to vector<256x512xf32>
    %add3A_171 = arith.addf %slice3A_169, %add3A_170 : vector<256x512xf32>
    %mul3A_172 = arith.mulf %slice3A_164, %add3A_171 : vector<256x512xf32>
    %add3A_173 = arith.addf %add3A_168, %mul3A_172 : vector<256x512xf32>
    %tanh3A_174 = math.tanh %add3A_173 : vector<256x512xf32>
    %sub3A_175 = arith.subf %add3A_134, %tanh3A_174 : vector<256x512xf32>
    %mul3A_176 = arith.mulf %slice3A_165, %sub3A_175 : vector<256x512xf32>
    %add3A_177 = arith.addf %tanh3A_174, %mul3A_176 : vector<256x512xf32>
    %gt3A_178 = arith.constant 3 : i32
    %gt3A_179 = vector.broadcast %gt3A_178 : i32 to vector<256x1xi32>
    %gt3A_180 = arith.cmpi sgt, %get3A_13, %gt3A_179 : vector<256x1xi32>
    %max3A_181 = arith.maximumf %select_n3A_141, %add3A_177 : vector<256x512xf32>
    %broadcast_in_dim3A_182 = vector.shape_cast %gt3A_180 : vector<256x1xi1> to vector<256x1xi1>
    %broadcast_in_dim3A_183 = vector.broadcast %broadcast_in_dim3A_182 : vector<256x1xi1> to vector<256x512xi1>
    %select_n3A_184 = arith.select %broadcast_in_dim3A_183, %max3A_181, %select_n3A_141 : vector<256x512xi1>, vector<256x512xf32>
    %get3A_185 = arith.constant 4 : index
    %get3A_186 = arith.constant 0 : index
    %get3A_187 = arith.constant 0 : index
    %get3A_188 = vector.load %arg1[%get3A_185, %get3A_186, %get3A_187] : memref<20x256x128xf32, #tpu.memory_space<vmem>>, vector<1x256x128xf32>
    %get3A_189 = vector.shape_cast %get3A_188 : vector<1x256x128xf32> to vector<256x128xf32>
    %convert_element_type3A_190 = arith.truncf %get3A_189 : vector<256x128xf32> to vector<256x128xbf16>
    %dot_general3A_191 = arith.constant dense<0.000000e+00> : vector<256x1536xf32>
    %dot_general3A_192 = tpu.matmul %convert_element_type3A_190, %convert_element_type3A, %dot_general3A_191 {dimension_numbers = #tpu.dot_dimension_numbers<[1], [1], [0], [0], [0, 0, 1, 0], [], []>, transpose_lhs_hint = false} : vector<256x128xbf16>, vector<1536x128xbf16>, vector<256x1536xf32> -> vector<256x1536xf32>
    %convert_element_type3A_193 = arith.truncf %add3A_177 : vector<256x512xf32> to vector<256x512xbf16>
    %dot_general3A_194 = arith.constant dense<0.000000e+00> : vector<256x1536xf32>
    %dot_general3A_195 = tpu.matmul %convert_element_type3A_193, %convert_element_type3A_17, %dot_general3A_194 {dimension_numbers = #tpu.dot_dimension_numbers<[1], [1], [0], [0], [0, 0, 1, 0], [], []>, transpose_lhs_hint = false} : vector<256x512xbf16>, vector<1536x512xbf16>, vector<256x1536xf32> -> vector<256x1536xf32>
    %slice3A_196 = vector.extract_strided_slice %dot_general3A_192 {offsets = [0, 0], sizes = [256, 1024], strides = [1, 1]} : vector<256x1536xf32> to vector<256x1024xf32>
    %slice3A_197 = vector.extract_strided_slice %dot_general3A_195 {offsets = [0, 0], sizes = [256, 1024], strides = [1, 1]} : vector<256x1536xf32> to vector<256x1024xf32>
    %add3A_198 = arith.addf %slice3A_196, %slice3A_197 : vector<256x1024xf32>
    %add3A_199 = vector.broadcast %add3A : vector<1x1024xf32> to vector<256x1024xf32>
    %add3A_200 = arith.addf %add3A_198, %add3A_199 : vector<256x1024xf32>
    %logistic3A_201 = arith.negf %add3A_200 : vector<256x1024xf32>
    %logistic3A_202 = math.exp %logistic3A_201 : vector<256x1024xf32>
    %logistic3A_203 = arith.constant 1.000000e+00 : f32
    %logistic3A_204 = vector.broadcast %logistic3A_203 : f32 to vector<256x1024xf32>
    %logistic3A_205 = arith.addf %logistic3A_204, %logistic3A_202 : vector<256x1024xf32>
    %logistic3A_206 = arith.divf %logistic3A_204, %logistic3A_205 : vector<256x1024xf32>
    %slice3A_207 = vector.extract_strided_slice %logistic3A_206 {offsets = [0, 0], sizes = [256, 512], strides = [1, 1]} : vector<256x1024xf32> to vector<256x512xf32>
    %slice3A_208 = vector.extract_strided_slice %logistic3A_206 {offsets = [0, 512], sizes = [256, 512], strides = [1, 1]} : vector<256x1024xf32> to vector<256x512xf32>
    %slice3A_209 = vector.extract_strided_slice %dot_general3A_192 {offsets = [0, 1024], sizes = [256, 512], strides = [1, 1]} : vector<256x1536xf32> to vector<256x512xf32>
    %add3A_210 = vector.broadcast %slice3A_19 : vector<1x512xf32> to vector<256x512xf32>
    %add3A_211 = arith.addf %slice3A_209, %add3A_210 : vector<256x512xf32>
    %slice3A_212 = vector.extract_strided_slice %dot_general3A_195 {offsets = [0, 1024], sizes = [256, 512], strides = [1, 1]} : vector<256x1536xf32> to vector<256x512xf32>
    %add3A_213 = vector.broadcast %slice3A_20 : vector<1x512xf32> to vector<256x512xf32>
    %add3A_214 = arith.addf %slice3A_212, %add3A_213 : vector<256x512xf32>
    %mul3A_215 = arith.mulf %slice3A_207, %add3A_214 : vector<256x512xf32>
    %add3A_216 = arith.addf %add3A_211, %mul3A_215 : vector<256x512xf32>
    %tanh3A_217 = math.tanh %add3A_216 : vector<256x512xf32>
    %sub3A_218 = arith.subf %add3A_177, %tanh3A_217 : vector<256x512xf32>
    %mul3A_219 = arith.mulf %slice3A_208, %sub3A_218 : vector<256x512xf32>
    %add3A_220 = arith.addf %tanh3A_217, %mul3A_219 : vector<256x512xf32>
    %gt3A_221 = arith.constant 4 : i32
    %gt3A_222 = vector.broadcast %gt3A_221 : i32 to vector<256x1xi32>
    %gt3A_223 = arith.cmpi sgt, %get3A_13, %gt3A_222 : vector<256x1xi32>
    %max3A_224 = arith.maximumf %select_n3A_184, %add3A_220 : vector<256x512xf32>
    %broadcast_in_dim3A_225 = vector.shape_cast %gt3A_223 : vector<256x1xi1> to vector<256x1xi1>
    %broadcast_in_dim3A_226 = vector.broadcast %broadcast_in_dim3A_225 : vector<256x1xi1> to vector<256x512xi1>
    %select_n3A_227 = arith.select %broadcast_in_dim3A_226, %max3A_224, %select_n3A_184 : vector<256x512xi1>, vector<256x512xf32>
    %get3A_228 = arith.constant 5 : index
    %get3A_229 = arith.constant 0 : index
    %get3A_230 = arith.constant 0 : index
    %get3A_231 = vector.load %arg1[%get3A_228, %get3A_229, %get3A_230] : memref<20x256x128xf32, #tpu.memory_space<vmem>>, vector<1x256x128xf32>
    %get3A_232 = vector.shape_cast %get3A_231 : vector<1x256x128xf32> to vector<256x128xf32>
    %convert_element_type3A_233 = arith.truncf %get3A_232 : vector<256x128xf32> to vector<256x128xbf16>
    %dot_general3A_234 = arith.constant dense<0.000000e+00> : vector<256x1536xf32>
    %dot_general3A_235 = tpu.matmul %convert_element_type3A_233, %convert_element_type3A, %dot_general3A_234 {dimension_numbers = #tpu.dot_dimension_numbers<[1], [1], [0], [0], [0, 0, 1, 0], [], []>, transpose_lhs_hint = false} : vector<256x128xbf16>, vector<1536x128xbf16>, vector<256x1536xf32> -> vector<256x1536xf32>
    %convert_element_type3A_236 = arith.truncf %add3A_220 : vector<256x512xf32> to vector<256x512xbf16>
    %dot_general3A_237 = arith.constant dense<0.000000e+00> : vector<256x1536xf32>
    %dot_general3A_238 = tpu.matmul %convert_element_type3A_236, %convert_element_type3A_17, %dot_general3A_237 {dimension_numbers = #tpu.dot_dimension_numbers<[1], [1], [0], [0], [0, 0, 1, 0], [], []>, transpose_lhs_hint = false} : vector<256x512xbf16>, vector<1536x512xbf16>, vector<256x1536xf32> -> vector<256x1536xf32>
    %slice3A_239 = vector.extract_strided_slice %dot_general3A_235 {offsets = [0, 0], sizes = [256, 1024], strides = [1, 1]} : vector<256x1536xf32> to vector<256x1024xf32>
    %slice3A_240 = vector.extract_strided_slice %dot_general3A_238 {offsets = [0, 0], sizes = [256, 1024], strides = [1, 1]} : vector<256x1536xf32> to vector<256x1024xf32>
    %add3A_241 = arith.addf %slice3A_239, %slice3A_240 : vector<256x1024xf32>
    %add3A_242 = vector.broadcast %add3A : vector<1x1024xf32> to vector<256x1024xf32>
    %add3A_243 = arith.addf %add3A_241, %add3A_242 : vector<256x1024xf32>
    %logistic3A_244 = arith.negf %add3A_243 : vector<256x1024xf32>
    %logistic3A_245 = math.exp %logistic3A_244 : vector<256x1024xf32>
    %logistic3A_246 = arith.constant 1.000000e+00 : f32
    %logistic3A_247 = vector.broadcast %logistic3A_246 : f32 to vector<256x1024xf32>
    %logistic3A_248 = arith.addf %logistic3A_247, %logistic3A_245 : vector<256x1024xf32>
    %logistic3A_249 = arith.divf %logistic3A_247, %logistic3A_248 : vector<256x1024xf32>
    %slice3A_250 = vector.extract_strided_slice %logistic3A_249 {offsets = [0, 0], sizes = [256, 512], strides = [1, 1]} : vector<256x1024xf32> to vector<256x512xf32>
    %slice3A_251 = vector.extract_strided_slice %logistic3A_249 {offsets = [0, 512], sizes = [256, 512], strides = [1, 1]} : vector<256x1024xf32> to vector<256x512xf32>
    %slice3A_252 = vector.extract_strided_slice %dot_general3A_235 {offsets = [0, 1024], sizes = [256, 512], strides = [1, 1]} : vector<256x1536xf32> to vector<256x512xf32>
    %add3A_253 = vector.broadcast %slice3A_19 : vector<1x512xf32> to vector<256x512xf32>
    %add3A_254 = arith.addf %slice3A_252, %add3A_253 : vector<256x512xf32>
    %slice3A_255 = vector.extract_strided_slice %dot_general3A_238 {offsets = [0, 1024], sizes = [256, 512], strides = [1, 1]} : vector<256x1536xf32> to vector<256x512xf32>
    %add3A_256 = vector.broadcast %slice3A_20 : vector<1x512xf32> to vector<256x512xf32>
    %add3A_257 = arith.addf %slice3A_255, %add3A_256 : vector<256x512xf32>
    %mul3A_258 = arith.mulf %slice3A_250, %add3A_257 : vector<256x512xf32>
    %add3A_259 = arith.addf %add3A_254, %mul3A_258 : vector<256x512xf32>
    %tanh3A_260 = math.tanh %add3A_259 : vector<256x512xf32>
    %sub3A_261 = arith.subf %add3A_220, %tanh3A_260 : vector<256x512xf32>
    %mul3A_262 = arith.mulf %slice3A_251, %sub3A_261 : vector<256x512xf32>
    %add3A_263 = arith.addf %tanh3A_260, %mul3A_262 : vector<256x512xf32>
    %gt3A_264 = arith.constant 5 : i32
    %gt3A_265 = vector.broadcast %gt3A_264 : i32 to vector<256x1xi32>
    %gt3A_266 = arith.cmpi sgt, %get3A_13, %gt3A_265 : vector<256x1xi32>
    %max3A_267 = arith.maximumf %select_n3A_227, %add3A_263 : vector<256x512xf32>
    %broadcast_in_dim3A_268 = vector.shape_cast %gt3A_266 : vector<256x1xi1> to vector<256x1xi1>
    %broadcast_in_dim3A_269 = vector.broadcast %broadcast_in_dim3A_268 : vector<256x1xi1> to vector<256x512xi1>
    %select_n3A_270 = arith.select %broadcast_in_dim3A_269, %max3A_267, %select_n3A_227 : vector<256x512xi1>, vector<256x512xf32>
    %get3A_271 = arith.constant 6 : index
    %get3A_272 = arith.constant 0 : index
    %get3A_273 = arith.constant 0 : index
    %get3A_274 = vector.load %arg1[%get3A_271, %get3A_272, %get3A_273] : memref<20x256x128xf32, #tpu.memory_space<vmem>>, vector<1x256x128xf32>
    %get3A_275 = vector.shape_cast %get3A_274 : vector<1x256x128xf32> to vector<256x128xf32>
    %convert_element_type3A_276 = arith.truncf %get3A_275 : vector<256x128xf32> to vector<256x128xbf16>
    %dot_general3A_277 = arith.constant dense<0.000000e+00> : vector<256x1536xf32>
    %dot_general3A_278 = tpu.matmul %convert_element_type3A_276, %convert_element_type3A, %dot_general3A_277 {dimension_numbers = #tpu.dot_dimension_numbers<[1], [1], [0], [0], [0, 0, 1, 0], [], []>, transpose_lhs_hint = false} : vector<256x128xbf16>, vector<1536x128xbf16>, vector<256x1536xf32> -> vector<256x1536xf32>
    %convert_element_type3A_279 = arith.truncf %add3A_263 : vector<256x512xf32> to vector<256x512xbf16>
    %dot_general3A_280 = arith.constant dense<0.000000e+00> : vector<256x1536xf32>
    %dot_general3A_281 = tpu.matmul %convert_element_type3A_279, %convert_element_type3A_17, %dot_general3A_280 {dimension_numbers = #tpu.dot_dimension_numbers<[1], [1], [0], [0], [0, 0, 1, 0], [], []>, transpose_lhs_hint = false} : vector<256x512xbf16>, vector<1536x512xbf16>, vector<256x1536xf32> -> vector<256x1536xf32>
    %slice3A_282 = vector.extract_strided_slice %dot_general3A_278 {offsets = [0, 0], sizes = [256, 1024], strides = [1, 1]} : vector<256x1536xf32> to vector<256x1024xf32>
    %slice3A_283 = vector.extract_strided_slice %dot_general3A_281 {offsets = [0, 0], sizes = [256, 1024], strides = [1, 1]} : vector<256x1536xf32> to vector<256x1024xf32>
    %add3A_284 = arith.addf %slice3A_282, %slice3A_283 : vector<256x1024xf32>
    %add3A_285 = vector.broadcast %add3A : vector<1x1024xf32> to vector<256x1024xf32>
    %add3A_286 = arith.addf %add3A_284, %add3A_285 : vector<256x1024xf32>
    %logistic3A_287 = arith.negf %add3A_286 : vector<256x1024xf32>
    %logistic3A_288 = math.exp %logistic3A_287 : vector<256x1024xf32>
    %logistic3A_289 = arith.constant 1.000000e+00 : f32
    %logistic3A_290 = vector.broadcast %logistic3A_289 : f32 to vector<256x1024xf32>
    %logistic3A_291 = arith.addf %logistic3A_290, %logistic3A_288 : vector<256x1024xf32>
    %logistic3A_292 = arith.divf %logistic3A_290, %logistic3A_291 : vector<256x1024xf32>
    %slice3A_293 = vector.extract_strided_slice %logistic3A_292 {offsets = [0, 0], sizes = [256, 512], strides = [1, 1]} : vector<256x1024xf32> to vector<256x512xf32>
    %slice3A_294 = vector.extract_strided_slice %logistic3A_292 {offsets = [0, 512], sizes = [256, 512], strides = [1, 1]} : vector<256x1024xf32> to vector<256x512xf32>
    %slice3A_295 = vector.extract_strided_slice %dot_general3A_278 {offsets = [0, 1024], sizes = [256, 512], strides = [1, 1]} : vector<256x1536xf32> to vector<256x512xf32>
    %add3A_296 = vector.broadcast %slice3A_19 : vector<1x512xf32> to vector<256x512xf32>
    %add3A_297 = arith.addf %slice3A_295, %add3A_296 : vector<256x512xf32>
    %slice3A_298 = vector.extract_strided_slice %dot_general3A_281 {offsets = [0, 1024], sizes = [256, 512], strides = [1, 1]} : vector<256x1536xf32> to vector<256x512xf32>
    %add3A_299 = vector.broadcast %slice3A_20 : vector<1x512xf32> to vector<256x512xf32>
    %add3A_300 = arith.addf %slice3A_298, %add3A_299 : vector<256x512xf32>
    %mul3A_301 = arith.mulf %slice3A_293, %add3A_300 : vector<256x512xf32>
    %add3A_302 = arith.addf %add3A_297, %mul3A_301 : vector<256x512xf32>
    %tanh3A_303 = math.tanh %add3A_302 : vector<256x512xf32>
    %sub3A_304 = arith.subf %add3A_263, %tanh3A_303 : vector<256x512xf32>
    %mul3A_305 = arith.mulf %slice3A_294, %sub3A_304 : vector<256x512xf32>
    %add3A_306 = arith.addf %tanh3A_303, %mul3A_305 : vector<256x512xf32>
    %gt3A_307 = arith.constant 6 : i32
    %gt3A_308 = vector.broadcast %gt3A_307 : i32 to vector<256x1xi32>
    %gt3A_309 = arith.cmpi sgt, %get3A_13, %gt3A_308 : vector<256x1xi32>
    %max3A_310 = arith.maximumf %select_n3A_270, %add3A_306 : vector<256x512xf32>
    %broadcast_in_dim3A_311 = vector.shape_cast %gt3A_309 : vector<256x1xi1> to vector<256x1xi1>
    %broadcast_in_dim3A_312 = vector.broadcast %broadcast_in_dim3A_311 : vector<256x1xi1> to vector<256x512xi1>
    %select_n3A_313 = arith.select %broadcast_in_dim3A_312, %max3A_310, %select_n3A_270 : vector<256x512xi1>, vector<256x512xf32>
    %get3A_314 = arith.constant 7 : index
    %get3A_315 = arith.constant 0 : index
    %get3A_316 = arith.constant 0 : index
    %get3A_317 = vector.load %arg1[%get3A_314, %get3A_315, %get3A_316] : memref<20x256x128xf32, #tpu.memory_space<vmem>>, vector<1x256x128xf32>
    %get3A_318 = vector.shape_cast %get3A_317 : vector<1x256x128xf32> to vector<256x128xf32>
    %convert_element_type3A_319 = arith.truncf %get3A_318 : vector<256x128xf32> to vector<256x128xbf16>
    %dot_general3A_320 = arith.constant dense<0.000000e+00> : vector<256x1536xf32>
    %dot_general3A_321 = tpu.matmul %convert_element_type3A_319, %convert_element_type3A, %dot_general3A_320 {dimension_numbers = #tpu.dot_dimension_numbers<[1], [1], [0], [0], [0, 0, 1, 0], [], []>, transpose_lhs_hint = false} : vector<256x128xbf16>, vector<1536x128xbf16>, vector<256x1536xf32> -> vector<256x1536xf32>
    %convert_element_type3A_322 = arith.truncf %add3A_306 : vector<256x512xf32> to vector<256x512xbf16>
    %dot_general3A_323 = arith.constant dense<0.000000e+00> : vector<256x1536xf32>
    %dot_general3A_324 = tpu.matmul %convert_element_type3A_322, %convert_element_type3A_17, %dot_general3A_323 {dimension_numbers = #tpu.dot_dimension_numbers<[1], [1], [0], [0], [0, 0, 1, 0], [], []>, transpose_lhs_hint = false} : vector<256x512xbf16>, vector<1536x512xbf16>, vector<256x1536xf32> -> vector<256x1536xf32>
    %slice3A_325 = vector.extract_strided_slice %dot_general3A_321 {offsets = [0, 0], sizes = [256, 1024], strides = [1, 1]} : vector<256x1536xf32> to vector<256x1024xf32>
    %slice3A_326 = vector.extract_strided_slice %dot_general3A_324 {offsets = [0, 0], sizes = [256, 1024], strides = [1, 1]} : vector<256x1536xf32> to vector<256x1024xf32>
    %add3A_327 = arith.addf %slice3A_325, %slice3A_326 : vector<256x1024xf32>
    %add3A_328 = vector.broadcast %add3A : vector<1x1024xf32> to vector<256x1024xf32>
    %add3A_329 = arith.addf %add3A_327, %add3A_328 : vector<256x1024xf32>
    %logistic3A_330 = arith.negf %add3A_329 : vector<256x1024xf32>
    %logistic3A_331 = math.exp %logistic3A_330 : vector<256x1024xf32>
    %logistic3A_332 = arith.constant 1.000000e+00 : f32
    %logistic3A_333 = vector.broadcast %logistic3A_332 : f32 to vector<256x1024xf32>
    %logistic3A_334 = arith.addf %logistic3A_333, %logistic3A_331 : vector<256x1024xf32>
    %logistic3A_335 = arith.divf %logistic3A_333, %logistic3A_334 : vector<256x1024xf32>
    %slice3A_336 = vector.extract_strided_slice %logistic3A_335 {offsets = [0, 0], sizes = [256, 512], strides = [1, 1]} : vector<256x1024xf32> to vector<256x512xf32>
    %slice3A_337 = vector.extract_strided_slice %logistic3A_335 {offsets = [0, 512], sizes = [256, 512], strides = [1, 1]} : vector<256x1024xf32> to vector<256x512xf32>
    %slice3A_338 = vector.extract_strided_slice %dot_general3A_321 {offsets = [0, 1024], sizes = [256, 512], strides = [1, 1]} : vector<256x1536xf32> to vector<256x512xf32>
    %add3A_339 = vector.broadcast %slice3A_19 : vector<1x512xf32> to vector<256x512xf32>
    %add3A_340 = arith.addf %slice3A_338, %add3A_339 : vector<256x512xf32>
    %slice3A_341 = vector.extract_strided_slice %dot_general3A_324 {offsets = [0, 1024], sizes = [256, 512], strides = [1, 1]} : vector<256x1536xf32> to vector<256x512xf32>
    %add3A_342 = vector.broadcast %slice3A_20 : vector<1x512xf32> to vector<256x512xf32>
    %add3A_343 = arith.addf %slice3A_341, %add3A_342 : vector<256x512xf32>
    %mul3A_344 = arith.mulf %slice3A_336, %add3A_343 : vector<256x512xf32>
    %add3A_345 = arith.addf %add3A_340, %mul3A_344 : vector<256x512xf32>
    %tanh3A_346 = math.tanh %add3A_345 : vector<256x512xf32>
    %sub3A_347 = arith.subf %add3A_306, %tanh3A_346 : vector<256x512xf32>
    %mul3A_348 = arith.mulf %slice3A_337, %sub3A_347 : vector<256x512xf32>
    %add3A_349 = arith.addf %tanh3A_346, %mul3A_348 : vector<256x512xf32>
    %gt3A_350 = arith.constant 7 : i32
    %gt3A_351 = vector.broadcast %gt3A_350 : i32 to vector<256x1xi32>
    %gt3A_352 = arith.cmpi sgt, %get3A_13, %gt3A_351 : vector<256x1xi32>
    %max3A_353 = arith.maximumf %select_n3A_313, %add3A_349 : vector<256x512xf32>
    %broadcast_in_dim3A_354 = vector.shape_cast %gt3A_352 : vector<256x1xi1> to vector<256x1xi1>
    %broadcast_in_dim3A_355 = vector.broadcast %broadcast_in_dim3A_354 : vector<256x1xi1> to vector<256x512xi1>
    %select_n3A_356 = arith.select %broadcast_in_dim3A_355, %max3A_353, %select_n3A_313 : vector<256x512xi1>, vector<256x512xf32>
    %get3A_357 = arith.constant 8 : index
    %get3A_358 = arith.constant 0 : index
    %get3A_359 = arith.constant 0 : index
    %get3A_360 = vector.load %arg1[%get3A_357, %get3A_358, %get3A_359] : memref<20x256x128xf32, #tpu.memory_space<vmem>>, vector<1x256x128xf32>
    %get3A_361 = vector.shape_cast %get3A_360 : vector<1x256x128xf32> to vector<256x128xf32>
    %convert_element_type3A_362 = arith.truncf %get3A_361 : vector<256x128xf32> to vector<256x128xbf16>
    %dot_general3A_363 = arith.constant dense<0.000000e+00> : vector<256x1536xf32>
    %dot_general3A_364 = tpu.matmul %convert_element_type3A_362, %convert_element_type3A, %dot_general3A_363 {dimension_numbers = #tpu.dot_dimension_numbers<[1], [1], [0], [0], [0, 0, 1, 0], [], []>, transpose_lhs_hint = false} : vector<256x128xbf16>, vector<1536x128xbf16>, vector<256x1536xf32> -> vector<256x1536xf32>
    %convert_element_type3A_365 = arith.truncf %add3A_349 : vector<256x512xf32> to vector<256x512xbf16>
    %dot_general3A_366 = arith.constant dense<0.000000e+00> : vector<256x1536xf32>
    %dot_general3A_367 = tpu.matmul %convert_element_type3A_365, %convert_element_type3A_17, %dot_general3A_366 {dimension_numbers = #tpu.dot_dimension_numbers<[1], [1], [0], [0], [0, 0, 1, 0], [], []>, transpose_lhs_hint = false} : vector<256x512xbf16>, vector<1536x512xbf16>, vector<256x1536xf32> -> vector<256x1536xf32>
    %slice3A_368 = vector.extract_strided_slice %dot_general3A_364 {offsets = [0, 0], sizes = [256, 1024], strides = [1, 1]} : vector<256x1536xf32> to vector<256x1024xf32>
    %slice3A_369 = vector.extract_strided_slice %dot_general3A_367 {offsets = [0, 0], sizes = [256, 1024], strides = [1, 1]} : vector<256x1536xf32> to vector<256x1024xf32>
    %add3A_370 = arith.addf %slice3A_368, %slice3A_369 : vector<256x1024xf32>
    %add3A_371 = vector.broadcast %add3A : vector<1x1024xf32> to vector<256x1024xf32>
    %add3A_372 = arith.addf %add3A_370, %add3A_371 : vector<256x1024xf32>
    %logistic3A_373 = arith.negf %add3A_372 : vector<256x1024xf32>
    %logistic3A_374 = math.exp %logistic3A_373 : vector<256x1024xf32>
    %logistic3A_375 = arith.constant 1.000000e+00 : f32
    %logistic3A_376 = vector.broadcast %logistic3A_375 : f32 to vector<256x1024xf32>
    %logistic3A_377 = arith.addf %logistic3A_376, %logistic3A_374 : vector<256x1024xf32>
    %logistic3A_378 = arith.divf %logistic3A_376, %logistic3A_377 : vector<256x1024xf32>
    %slice3A_379 = vector.extract_strided_slice %logistic3A_378 {offsets = [0, 0], sizes = [256, 512], strides = [1, 1]} : vector<256x1024xf32> to vector<256x512xf32>
    %slice3A_380 = vector.extract_strided_slice %logistic3A_378 {offsets = [0, 512], sizes = [256, 512], strides = [1, 1]} : vector<256x1024xf32> to vector<256x512xf32>
    %slice3A_381 = vector.extract_strided_slice %dot_general3A_364 {offsets = [0, 1024], sizes = [256, 512], strides = [1, 1]} : vector<256x1536xf32> to vector<256x512xf32>
    %add3A_382 = vector.broadcast %slice3A_19 : vector<1x512xf32> to vector<256x512xf32>
    %add3A_383 = arith.addf %slice3A_381, %add3A_382 : vector<256x512xf32>
    %slice3A_384 = vector.extract_strided_slice %dot_general3A_367 {offsets = [0, 1024], sizes = [256, 512], strides = [1, 1]} : vector<256x1536xf32> to vector<256x512xf32>
    %add3A_385 = vector.broadcast %slice3A_20 : vector<1x512xf32> to vector<256x512xf32>
    %add3A_386 = arith.addf %slice3A_384, %add3A_385 : vector<256x512xf32>
    %mul3A_387 = arith.mulf %slice3A_379, %add3A_386 : vector<256x512xf32>
    %add3A_388 = arith.addf %add3A_383, %mul3A_387 : vector<256x512xf32>
    %tanh3A_389 = math.tanh %add3A_388 : vector<256x512xf32>
    %sub3A_390 = arith.subf %add3A_349, %tanh3A_389 : vector<256x512xf32>
    %mul3A_391 = arith.mulf %slice3A_380, %sub3A_390 : vector<256x512xf32>
    %add3A_392 = arith.addf %tanh3A_389, %mul3A_391 : vector<256x512xf32>
    %gt3A_393 = arith.constant 8 : i32
    %gt3A_394 = vector.broadcast %gt3A_393 : i32 to vector<256x1xi32>
    %gt3A_395 = arith.cmpi sgt, %get3A_13, %gt3A_394 : vector<256x1xi32>
    %max3A_396 = arith.maximumf %select_n3A_356, %add3A_392 : vector<256x512xf32>
    %broadcast_in_dim3A_397 = vector.shape_cast %gt3A_395 : vector<256x1xi1> to vector<256x1xi1>
    %broadcast_in_dim3A_398 = vector.broadcast %broadcast_in_dim3A_397 : vector<256x1xi1> to vector<256x512xi1>
    %select_n3A_399 = arith.select %broadcast_in_dim3A_398, %max3A_396, %select_n3A_356 : vector<256x512xi1>, vector<256x512xf32>
    %get3A_400 = arith.constant 9 : index
    %get3A_401 = arith.constant 0 : index
    %get3A_402 = arith.constant 0 : index
    %get3A_403 = vector.load %arg1[%get3A_400, %get3A_401, %get3A_402] : memref<20x256x128xf32, #tpu.memory_space<vmem>>, vector<1x256x128xf32>
    %get3A_404 = vector.shape_cast %get3A_403 : vector<1x256x128xf32> to vector<256x128xf32>
    %convert_element_type3A_405 = arith.truncf %get3A_404 : vector<256x128xf32> to vector<256x128xbf16>
    %dot_general3A_406 = arith.constant dense<0.000000e+00> : vector<256x1536xf32>
    %dot_general3A_407 = tpu.matmul %convert_element_type3A_405, %convert_element_type3A, %dot_general3A_406 {dimension_numbers = #tpu.dot_dimension_numbers<[1], [1], [0], [0], [0, 0, 1, 0], [], []>, transpose_lhs_hint = false} : vector<256x128xbf16>, vector<1536x128xbf16>, vector<256x1536xf32> -> vector<256x1536xf32>
    %convert_element_type3A_408 = arith.truncf %add3A_392 : vector<256x512xf32> to vector<256x512xbf16>
    %dot_general3A_409 = arith.constant dense<0.000000e+00> : vector<256x1536xf32>
    %dot_general3A_410 = tpu.matmul %convert_element_type3A_408, %convert_element_type3A_17, %dot_general3A_409 {dimension_numbers = #tpu.dot_dimension_numbers<[1], [1], [0], [0], [0, 0, 1, 0], [], []>, transpose_lhs_hint = false} : vector<256x512xbf16>, vector<1536x512xbf16>, vector<256x1536xf32> -> vector<256x1536xf32>
    %slice3A_411 = vector.extract_strided_slice %dot_general3A_407 {offsets = [0, 0], sizes = [256, 1024], strides = [1, 1]} : vector<256x1536xf32> to vector<256x1024xf32>
    %slice3A_412 = vector.extract_strided_slice %dot_general3A_410 {offsets = [0, 0], sizes = [256, 1024], strides = [1, 1]} : vector<256x1536xf32> to vector<256x1024xf32>
    %add3A_413 = arith.addf %slice3A_411, %slice3A_412 : vector<256x1024xf32>
    %add3A_414 = vector.broadcast %add3A : vector<1x1024xf32> to vector<256x1024xf32>
    %add3A_415 = arith.addf %add3A_413, %add3A_414 : vector<256x1024xf32>
    %logistic3A_416 = arith.negf %add3A_415 : vector<256x1024xf32>
    %logistic3A_417 = math.exp %logistic3A_416 : vector<256x1024xf32>
    %logistic3A_418 = arith.constant 1.000000e+00 : f32
    %logistic3A_419 = vector.broadcast %logistic3A_418 : f32 to vector<256x1024xf32>
    %logistic3A_420 = arith.addf %logistic3A_419, %logistic3A_417 : vector<256x1024xf32>
    %logistic3A_421 = arith.divf %logistic3A_419, %logistic3A_420 : vector<256x1024xf32>
    %slice3A_422 = vector.extract_strided_slice %logistic3A_421 {offsets = [0, 0], sizes = [256, 512], strides = [1, 1]} : vector<256x1024xf32> to vector<256x512xf32>
    %slice3A_423 = vector.extract_strided_slice %logistic3A_421 {offsets = [0, 512], sizes = [256, 512], strides = [1, 1]} : vector<256x1024xf32> to vector<256x512xf32>
    %slice3A_424 = vector.extract_strided_slice %dot_general3A_407 {offsets = [0, 1024], sizes = [256, 512], strides = [1, 1]} : vector<256x1536xf32> to vector<256x512xf32>
    %add3A_425 = vector.broadcast %slice3A_19 : vector<1x512xf32> to vector<256x512xf32>
    %add3A_426 = arith.addf %slice3A_424, %add3A_425 : vector<256x512xf32>
    %slice3A_427 = vector.extract_strided_slice %dot_general3A_410 {offsets = [0, 1024], sizes = [256, 512], strides = [1, 1]} : vector<256x1536xf32> to vector<256x512xf32>
    %add3A_428 = vector.broadcast %slice3A_20 : vector<1x512xf32> to vector<256x512xf32>
    %add3A_429 = arith.addf %slice3A_427, %add3A_428 : vector<256x512xf32>
    %mul3A_430 = arith.mulf %slice3A_422, %add3A_429 : vector<256x512xf32>
    %add3A_431 = arith.addf %add3A_426, %mul3A_430 : vector<256x512xf32>
    %tanh3A_432 = math.tanh %add3A_431 : vector<256x512xf32>
    %sub3A_433 = arith.subf %add3A_392, %tanh3A_432 : vector<256x512xf32>
    %mul3A_434 = arith.mulf %slice3A_423, %sub3A_433 : vector<256x512xf32>
    %add3A_435 = arith.addf %tanh3A_432, %mul3A_434 : vector<256x512xf32>
    %gt3A_436 = arith.constant 9 : i32
    %gt3A_437 = vector.broadcast %gt3A_436 : i32 to vector<256x1xi32>
    %gt3A_438 = arith.cmpi sgt, %get3A_13, %gt3A_437 : vector<256x1xi32>
    %max3A_439 = arith.maximumf %select_n3A_399, %add3A_435 : vector<256x512xf32>
    %broadcast_in_dim3A_440 = vector.shape_cast %gt3A_438 : vector<256x1xi1> to vector<256x1xi1>
    %broadcast_in_dim3A_441 = vector.broadcast %broadcast_in_dim3A_440 : vector<256x1xi1> to vector<256x512xi1>
    %select_n3A_442 = arith.select %broadcast_in_dim3A_441, %max3A_439, %select_n3A_399 : vector<256x512xi1>, vector<256x512xf32>
    %get3A_443 = arith.constant 10 : index
    %get3A_444 = arith.constant 0 : index
    %get3A_445 = arith.constant 0 : index
    %get3A_446 = vector.load %arg1[%get3A_443, %get3A_444, %get3A_445] : memref<20x256x128xf32, #tpu.memory_space<vmem>>, vector<1x256x128xf32>
    %get3A_447 = vector.shape_cast %get3A_446 : vector<1x256x128xf32> to vector<256x128xf32>
    %convert_element_type3A_448 = arith.truncf %get3A_447 : vector<256x128xf32> to vector<256x128xbf16>
    %dot_general3A_449 = arith.constant dense<0.000000e+00> : vector<256x1536xf32>
    %dot_general3A_450 = tpu.matmul %convert_element_type3A_448, %convert_element_type3A, %dot_general3A_449 {dimension_numbers = #tpu.dot_dimension_numbers<[1], [1], [0], [0], [0, 0, 1, 0], [], []>, transpose_lhs_hint = false} : vector<256x128xbf16>, vector<1536x128xbf16>, vector<256x1536xf32> -> vector<256x1536xf32>
    %convert_element_type3A_451 = arith.truncf %add3A_435 : vector<256x512xf32> to vector<256x512xbf16>
    %dot_general3A_452 = arith.constant dense<0.000000e+00> : vector<256x1536xf32>
    %dot_general3A_453 = tpu.matmul %convert_element_type3A_451, %convert_element_type3A_17, %dot_general3A_452 {dimension_numbers = #tpu.dot_dimension_numbers<[1], [1], [0], [0], [0, 0, 1, 0], [], []>, transpose_lhs_hint = false} : vector<256x512xbf16>, vector<1536x512xbf16>, vector<256x1536xf32> -> vector<256x1536xf32>
    %slice3A_454 = vector.extract_strided_slice %dot_general3A_450 {offsets = [0, 0], sizes = [256, 1024], strides = [1, 1]} : vector<256x1536xf32> to vector<256x1024xf32>
    %slice3A_455 = vector.extract_strided_slice %dot_general3A_453 {offsets = [0, 0], sizes = [256, 1024], strides = [1, 1]} : vector<256x1536xf32> to vector<256x1024xf32>
    %add3A_456 = arith.addf %slice3A_454, %slice3A_455 : vector<256x1024xf32>
    %add3A_457 = vector.broadcast %add3A : vector<1x1024xf32> to vector<256x1024xf32>
    %add3A_458 = arith.addf %add3A_456, %add3A_457 : vector<256x1024xf32>
    %logistic3A_459 = arith.negf %add3A_458 : vector<256x1024xf32>
    %logistic3A_460 = math.exp %logistic3A_459 : vector<256x1024xf32>
    %logistic3A_461 = arith.constant 1.000000e+00 : f32
    %logistic3A_462 = vector.broadcast %logistic3A_461 : f32 to vector<256x1024xf32>
    %logistic3A_463 = arith.addf %logistic3A_462, %logistic3A_460 : vector<256x1024xf32>
    %logistic3A_464 = arith.divf %logistic3A_462, %logistic3A_463 : vector<256x1024xf32>
    %slice3A_465 = vector.extract_strided_slice %logistic3A_464 {offsets = [0, 0], sizes = [256, 512], strides = [1, 1]} : vector<256x1024xf32> to vector<256x512xf32>
    %slice3A_466 = vector.extract_strided_slice %logistic3A_464 {offsets = [0, 512], sizes = [256, 512], strides = [1, 1]} : vector<256x1024xf32> to vector<256x512xf32>
    %slice3A_467 = vector.extract_strided_slice %dot_general3A_450 {offsets = [0, 1024], sizes = [256, 512], strides = [1, 1]} : vector<256x1536xf32> to vector<256x512xf32>
    %add3A_468 = vector.broadcast %slice3A_19 : vector<1x512xf32> to vector<256x512xf32>
    %add3A_469 = arith.addf %slice3A_467, %add3A_468 : vector<256x512xf32>
    %slice3A_470 = vector.extract_strided_slice %dot_general3A_453 {offsets = [0, 1024], sizes = [256, 512], strides = [1, 1]} : vector<256x1536xf32> to vector<256x512xf32>
    %add3A_471 = vector.broadcast %slice3A_20 : vector<1x512xf32> to vector<256x512xf32>
    %add3A_472 = arith.addf %slice3A_470, %add3A_471 : vector<256x512xf32>
    %mul3A_473 = arith.mulf %slice3A_465, %add3A_472 : vector<256x512xf32>
    %add3A_474 = arith.addf %add3A_469, %mul3A_473 : vector<256x512xf32>
    %tanh3A_475 = math.tanh %add3A_474 : vector<256x512xf32>
    %sub3A_476 = arith.subf %add3A_435, %tanh3A_475 : vector<256x512xf32>
    %mul3A_477 = arith.mulf %slice3A_466, %sub3A_476 : vector<256x512xf32>
    %add3A_478 = arith.addf %tanh3A_475, %mul3A_477 : vector<256x512xf32>
    %gt3A_479 = arith.constant 10 : i32
    %gt3A_480 = vector.broadcast %gt3A_479 : i32 to vector<256x1xi32>
    %gt3A_481 = arith.cmpi sgt, %get3A_13, %gt3A_480 : vector<256x1xi32>
    %max3A_482 = arith.maximumf %select_n3A_442, %add3A_478 : vector<256x512xf32>
    %broadcast_in_dim3A_483 = vector.shape_cast %gt3A_481 : vector<256x1xi1> to vector<256x1xi1>
    %broadcast_in_dim3A_484 = vector.broadcast %broadcast_in_dim3A_483 : vector<256x1xi1> to vector<256x512xi1>
    %select_n3A_485 = arith.select %broadcast_in_dim3A_484, %max3A_482, %select_n3A_442 : vector<256x512xi1>, vector<256x512xf32>
    %get3A_486 = arith.constant 11 : index
    %get3A_487 = arith.constant 0 : index
    %get3A_488 = arith.constant 0 : index
    %get3A_489 = vector.load %arg1[%get3A_486, %get3A_487, %get3A_488] : memref<20x256x128xf32, #tpu.memory_space<vmem>>, vector<1x256x128xf32>
    %get3A_490 = vector.shape_cast %get3A_489 : vector<1x256x128xf32> to vector<256x128xf32>
    %convert_element_type3A_491 = arith.truncf %get3A_490 : vector<256x128xf32> to vector<256x128xbf16>
    %dot_general3A_492 = arith.constant dense<0.000000e+00> : vector<256x1536xf32>
    %dot_general3A_493 = tpu.matmul %convert_element_type3A_491, %convert_element_type3A, %dot_general3A_492 {dimension_numbers = #tpu.dot_dimension_numbers<[1], [1], [0], [0], [0, 0, 1, 0], [], []>, transpose_lhs_hint = false} : vector<256x128xbf16>, vector<1536x128xbf16>, vector<256x1536xf32> -> vector<256x1536xf32>
    %convert_element_type3A_494 = arith.truncf %add3A_478 : vector<256x512xf32> to vector<256x512xbf16>
    %dot_general3A_495 = arith.constant dense<0.000000e+00> : vector<256x1536xf32>
    %dot_general3A_496 = tpu.matmul %convert_element_type3A_494, %convert_element_type3A_17, %dot_general3A_495 {dimension_numbers = #tpu.dot_dimension_numbers<[1], [1], [0], [0], [0, 0, 1, 0], [], []>, transpose_lhs_hint = false} : vector<256x512xbf16>, vector<1536x512xbf16>, vector<256x1536xf32> -> vector<256x1536xf32>
    %slice3A_497 = vector.extract_strided_slice %dot_general3A_493 {offsets = [0, 0], sizes = [256, 1024], strides = [1, 1]} : vector<256x1536xf32> to vector<256x1024xf32>
    %slice3A_498 = vector.extract_strided_slice %dot_general3A_496 {offsets = [0, 0], sizes = [256, 1024], strides = [1, 1]} : vector<256x1536xf32> to vector<256x1024xf32>
    %add3A_499 = arith.addf %slice3A_497, %slice3A_498 : vector<256x1024xf32>
    %add3A_500 = vector.broadcast %add3A : vector<1x1024xf32> to vector<256x1024xf32>
    %add3A_501 = arith.addf %add3A_499, %add3A_500 : vector<256x1024xf32>
    %logistic3A_502 = arith.negf %add3A_501 : vector<256x1024xf32>
    %logistic3A_503 = math.exp %logistic3A_502 : vector<256x1024xf32>
    %logistic3A_504 = arith.constant 1.000000e+00 : f32
    %logistic3A_505 = vector.broadcast %logistic3A_504 : f32 to vector<256x1024xf32>
    %logistic3A_506 = arith.addf %logistic3A_505, %logistic3A_503 : vector<256x1024xf32>
    %logistic3A_507 = arith.divf %logistic3A_505, %logistic3A_506 : vector<256x1024xf32>
    %slice3A_508 = vector.extract_strided_slice %logistic3A_507 {offsets = [0, 0], sizes = [256, 512], strides = [1, 1]} : vector<256x1024xf32> to vector<256x512xf32>
    %slice3A_509 = vector.extract_strided_slice %logistic3A_507 {offsets = [0, 512], sizes = [256, 512], strides = [1, 1]} : vector<256x1024xf32> to vector<256x512xf32>
    %slice3A_510 = vector.extract_strided_slice %dot_general3A_493 {offsets = [0, 1024], sizes = [256, 512], strides = [1, 1]} : vector<256x1536xf32> to vector<256x512xf32>
    %add3A_511 = vector.broadcast %slice3A_19 : vector<1x512xf32> to vector<256x512xf32>
    %add3A_512 = arith.addf %slice3A_510, %add3A_511 : vector<256x512xf32>
    %slice3A_513 = vector.extract_strided_slice %dot_general3A_496 {offsets = [0, 1024], sizes = [256, 512], strides = [1, 1]} : vector<256x1536xf32> to vector<256x512xf32>
    %add3A_514 = vector.broadcast %slice3A_20 : vector<1x512xf32> to vector<256x512xf32>
    %add3A_515 = arith.addf %slice3A_513, %add3A_514 : vector<256x512xf32>
    %mul3A_516 = arith.mulf %slice3A_508, %add3A_515 : vector<256x512xf32>
    %add3A_517 = arith.addf %add3A_512, %mul3A_516 : vector<256x512xf32>
    %tanh3A_518 = math.tanh %add3A_517 : vector<256x512xf32>
    %sub3A_519 = arith.subf %add3A_478, %tanh3A_518 : vector<256x512xf32>
    %mul3A_520 = arith.mulf %slice3A_509, %sub3A_519 : vector<256x512xf32>
    %add3A_521 = arith.addf %tanh3A_518, %mul3A_520 : vector<256x512xf32>
    %gt3A_522 = arith.constant 11 : i32
    %gt3A_523 = vector.broadcast %gt3A_522 : i32 to vector<256x1xi32>
    %gt3A_524 = arith.cmpi sgt, %get3A_13, %gt3A_523 : vector<256x1xi32>
    %max3A_525 = arith.maximumf %select_n3A_485, %add3A_521 : vector<256x512xf32>
    %broadcast_in_dim3A_526 = vector.shape_cast %gt3A_524 : vector<256x1xi1> to vector<256x1xi1>
    %broadcast_in_dim3A_527 = vector.broadcast %broadcast_in_dim3A_526 : vector<256x1xi1> to vector<256x512xi1>
    %select_n3A_528 = arith.select %broadcast_in_dim3A_527, %max3A_525, %select_n3A_485 : vector<256x512xi1>, vector<256x512xf32>
    %get3A_529 = arith.constant 12 : index
    %get3A_530 = arith.constant 0 : index
    %get3A_531 = arith.constant 0 : index
    %get3A_532 = vector.load %arg1[%get3A_529, %get3A_530, %get3A_531] : memref<20x256x128xf32, #tpu.memory_space<vmem>>, vector<1x256x128xf32>
    %get3A_533 = vector.shape_cast %get3A_532 : vector<1x256x128xf32> to vector<256x128xf32>
    %convert_element_type3A_534 = arith.truncf %get3A_533 : vector<256x128xf32> to vector<256x128xbf16>
    %dot_general3A_535 = arith.constant dense<0.000000e+00> : vector<256x1536xf32>
    %dot_general3A_536 = tpu.matmul %convert_element_type3A_534, %convert_element_type3A, %dot_general3A_535 {dimension_numbers = #tpu.dot_dimension_numbers<[1], [1], [0], [0], [0, 0, 1, 0], [], []>, transpose_lhs_hint = false} : vector<256x128xbf16>, vector<1536x128xbf16>, vector<256x1536xf32> -> vector<256x1536xf32>
    %convert_element_type3A_537 = arith.truncf %add3A_521 : vector<256x512xf32> to vector<256x512xbf16>
    %dot_general3A_538 = arith.constant dense<0.000000e+00> : vector<256x1536xf32>
    %dot_general3A_539 = tpu.matmul %convert_element_type3A_537, %convert_element_type3A_17, %dot_general3A_538 {dimension_numbers = #tpu.dot_dimension_numbers<[1], [1], [0], [0], [0, 0, 1, 0], [], []>, transpose_lhs_hint = false} : vector<256x512xbf16>, vector<1536x512xbf16>, vector<256x1536xf32> -> vector<256x1536xf32>
    %slice3A_540 = vector.extract_strided_slice %dot_general3A_536 {offsets = [0, 0], sizes = [256, 1024], strides = [1, 1]} : vector<256x1536xf32> to vector<256x1024xf32>
    %slice3A_541 = vector.extract_strided_slice %dot_general3A_539 {offsets = [0, 0], sizes = [256, 1024], strides = [1, 1]} : vector<256x1536xf32> to vector<256x1024xf32>
    %add3A_542 = arith.addf %slice3A_540, %slice3A_541 : vector<256x1024xf32>
    %add3A_543 = vector.broadcast %add3A : vector<1x1024xf32> to vector<256x1024xf32>
    %add3A_544 = arith.addf %add3A_542, %add3A_543 : vector<256x1024xf32>
    %logistic3A_545 = arith.negf %add3A_544 : vector<256x1024xf32>
    %logistic3A_546 = math.exp %logistic3A_545 : vector<256x1024xf32>
    %logistic3A_547 = arith.constant 1.000000e+00 : f32
    %logistic3A_548 = vector.broadcast %logistic3A_547 : f32 to vector<256x1024xf32>
    %logistic3A_549 = arith.addf %logistic3A_548, %logistic3A_546 : vector<256x1024xf32>
    %logistic3A_550 = arith.divf %logistic3A_548, %logistic3A_549 : vector<256x1024xf32>
    %slice3A_551 = vector.extract_strided_slice %logistic3A_550 {offsets = [0, 0], sizes = [256, 512], strides = [1, 1]} : vector<256x1024xf32> to vector<256x512xf32>
    %slice3A_552 = vector.extract_strided_slice %logistic3A_550 {offsets = [0, 512], sizes = [256, 512], strides = [1, 1]} : vector<256x1024xf32> to vector<256x512xf32>
    %slice3A_553 = vector.extract_strided_slice %dot_general3A_536 {offsets = [0, 1024], sizes = [256, 512], strides = [1, 1]} : vector<256x1536xf32> to vector<256x512xf32>
    %add3A_554 = vector.broadcast %slice3A_19 : vector<1x512xf32> to vector<256x512xf32>
    %add3A_555 = arith.addf %slice3A_553, %add3A_554 : vector<256x512xf32>
    %slice3A_556 = vector.extract_strided_slice %dot_general3A_539 {offsets = [0, 1024], sizes = [256, 512], strides = [1, 1]} : vector<256x1536xf32> to vector<256x512xf32>
    %add3A_557 = vector.broadcast %slice3A_20 : vector<1x512xf32> to vector<256x512xf32>
    %add3A_558 = arith.addf %slice3A_556, %add3A_557 : vector<256x512xf32>
    %mul3A_559 = arith.mulf %slice3A_551, %add3A_558 : vector<256x512xf32>
    %add3A_560 = arith.addf %add3A_555, %mul3A_559 : vector<256x512xf32>
    %tanh3A_561 = math.tanh %add3A_560 : vector<256x512xf32>
    %sub3A_562 = arith.subf %add3A_521, %tanh3A_561 : vector<256x512xf32>
    %mul3A_563 = arith.mulf %slice3A_552, %sub3A_562 : vector<256x512xf32>
    %add3A_564 = arith.addf %tanh3A_561, %mul3A_563 : vector<256x512xf32>
    %gt3A_565 = arith.constant 12 : i32
    %gt3A_566 = vector.broadcast %gt3A_565 : i32 to vector<256x1xi32>
    %gt3A_567 = arith.cmpi sgt, %get3A_13, %gt3A_566 : vector<256x1xi32>
    %max3A_568 = arith.maximumf %select_n3A_528, %add3A_564 : vector<256x512xf32>
    %broadcast_in_dim3A_569 = vector.shape_cast %gt3A_567 : vector<256x1xi1> to vector<256x1xi1>
    %broadcast_in_dim3A_570 = vector.broadcast %broadcast_in_dim3A_569 : vector<256x1xi1> to vector<256x512xi1>
    %select_n3A_571 = arith.select %broadcast_in_dim3A_570, %max3A_568, %select_n3A_528 : vector<256x512xi1>, vector<256x512xf32>
    %get3A_572 = arith.constant 13 : index
    %get3A_573 = arith.constant 0 : index
    %get3A_574 = arith.constant 0 : index
    %get3A_575 = vector.load %arg1[%get3A_572, %get3A_573, %get3A_574] : memref<20x256x128xf32, #tpu.memory_space<vmem>>, vector<1x256x128xf32>
    %get3A_576 = vector.shape_cast %get3A_575 : vector<1x256x128xf32> to vector<256x128xf32>
    %convert_element_type3A_577 = arith.truncf %get3A_576 : vector<256x128xf32> to vector<256x128xbf16>
    %dot_general3A_578 = arith.constant dense<0.000000e+00> : vector<256x1536xf32>
    %dot_general3A_579 = tpu.matmul %convert_element_type3A_577, %convert_element_type3A, %dot_general3A_578 {dimension_numbers = #tpu.dot_dimension_numbers<[1], [1], [0], [0], [0, 0, 1, 0], [], []>, transpose_lhs_hint = false} : vector<256x128xbf16>, vector<1536x128xbf16>, vector<256x1536xf32> -> vector<256x1536xf32>
    %convert_element_type3A_580 = arith.truncf %add3A_564 : vector<256x512xf32> to vector<256x512xbf16>
    %dot_general3A_581 = arith.constant dense<0.000000e+00> : vector<256x1536xf32>
    %dot_general3A_582 = tpu.matmul %convert_element_type3A_580, %convert_element_type3A_17, %dot_general3A_581 {dimension_numbers = #tpu.dot_dimension_numbers<[1], [1], [0], [0], [0, 0, 1, 0], [], []>, transpose_lhs_hint = false} : vector<256x512xbf16>, vector<1536x512xbf16>, vector<256x1536xf32> -> vector<256x1536xf32>
    %slice3A_583 = vector.extract_strided_slice %dot_general3A_579 {offsets = [0, 0], sizes = [256, 1024], strides = [1, 1]} : vector<256x1536xf32> to vector<256x1024xf32>
    %slice3A_584 = vector.extract_strided_slice %dot_general3A_582 {offsets = [0, 0], sizes = [256, 1024], strides = [1, 1]} : vector<256x1536xf32> to vector<256x1024xf32>
    %add3A_585 = arith.addf %slice3A_583, %slice3A_584 : vector<256x1024xf32>
    %add3A_586 = vector.broadcast %add3A : vector<1x1024xf32> to vector<256x1024xf32>
    %add3A_587 = arith.addf %add3A_585, %add3A_586 : vector<256x1024xf32>
    %logistic3A_588 = arith.negf %add3A_587 : vector<256x1024xf32>
    %logistic3A_589 = math.exp %logistic3A_588 : vector<256x1024xf32>
    %logistic3A_590 = arith.constant 1.000000e+00 : f32
    %logistic3A_591 = vector.broadcast %logistic3A_590 : f32 to vector<256x1024xf32>
    %logistic3A_592 = arith.addf %logistic3A_591, %logistic3A_589 : vector<256x1024xf32>
    %logistic3A_593 = arith.divf %logistic3A_591, %logistic3A_592 : vector<256x1024xf32>
    %slice3A_594 = vector.extract_strided_slice %logistic3A_593 {offsets = [0, 0], sizes = [256, 512], strides = [1, 1]} : vector<256x1024xf32> to vector<256x512xf32>
    %slice3A_595 = vector.extract_strided_slice %logistic3A_593 {offsets = [0, 512], sizes = [256, 512], strides = [1, 1]} : vector<256x1024xf32> to vector<256x512xf32>
    %slice3A_596 = vector.extract_strided_slice %dot_general3A_579 {offsets = [0, 1024], sizes = [256, 512], strides = [1, 1]} : vector<256x1536xf32> to vector<256x512xf32>
    %add3A_597 = vector.broadcast %slice3A_19 : vector<1x512xf32> to vector<256x512xf32>
    %add3A_598 = arith.addf %slice3A_596, %add3A_597 : vector<256x512xf32>
    %slice3A_599 = vector.extract_strided_slice %dot_general3A_582 {offsets = [0, 1024], sizes = [256, 512], strides = [1, 1]} : vector<256x1536xf32> to vector<256x512xf32>
    %add3A_600 = vector.broadcast %slice3A_20 : vector<1x512xf32> to vector<256x512xf32>
    %add3A_601 = arith.addf %slice3A_599, %add3A_600 : vector<256x512xf32>
    %mul3A_602 = arith.mulf %slice3A_594, %add3A_601 : vector<256x512xf32>
    %add3A_603 = arith.addf %add3A_598, %mul3A_602 : vector<256x512xf32>
    %tanh3A_604 = math.tanh %add3A_603 : vector<256x512xf32>
    %sub3A_605 = arith.subf %add3A_564, %tanh3A_604 : vector<256x512xf32>
    %mul3A_606 = arith.mulf %slice3A_595, %sub3A_605 : vector<256x512xf32>
    %add3A_607 = arith.addf %tanh3A_604, %mul3A_606 : vector<256x512xf32>
    %gt3A_608 = arith.constant 13 : i32
    %gt3A_609 = vector.broadcast %gt3A_608 : i32 to vector<256x1xi32>
    %gt3A_610 = arith.cmpi sgt, %get3A_13, %gt3A_609 : vector<256x1xi32>
    %max3A_611 = arith.maximumf %select_n3A_571, %add3A_607 : vector<256x512xf32>
    %broadcast_in_dim3A_612 = vector.shape_cast %gt3A_610 : vector<256x1xi1> to vector<256x1xi1>
    %broadcast_in_dim3A_613 = vector.broadcast %broadcast_in_dim3A_612 : vector<256x1xi1> to vector<256x512xi1>
    %select_n3A_614 = arith.select %broadcast_in_dim3A_613, %max3A_611, %select_n3A_571 : vector<256x512xi1>, vector<256x512xf32>
    %get3A_615 = arith.constant 14 : index
    %get3A_616 = arith.constant 0 : index
    %get3A_617 = arith.constant 0 : index
    %get3A_618 = vector.load %arg1[%get3A_615, %get3A_616, %get3A_617] : memref<20x256x128xf32, #tpu.memory_space<vmem>>, vector<1x256x128xf32>
    %get3A_619 = vector.shape_cast %get3A_618 : vector<1x256x128xf32> to vector<256x128xf32>
    %convert_element_type3A_620 = arith.truncf %get3A_619 : vector<256x128xf32> to vector<256x128xbf16>
    %dot_general3A_621 = arith.constant dense<0.000000e+00> : vector<256x1536xf32>
    %dot_general3A_622 = tpu.matmul %convert_element_type3A_620, %convert_element_type3A, %dot_general3A_621 {dimension_numbers = #tpu.dot_dimension_numbers<[1], [1], [0], [0], [0, 0, 1, 0], [], []>, transpose_lhs_hint = false} : vector<256x128xbf16>, vector<1536x128xbf16>, vector<256x1536xf32> -> vector<256x1536xf32>
    %convert_element_type3A_623 = arith.truncf %add3A_607 : vector<256x512xf32> to vector<256x512xbf16>
    %dot_general3A_624 = arith.constant dense<0.000000e+00> : vector<256x1536xf32>
    %dot_general3A_625 = tpu.matmul %convert_element_type3A_623, %convert_element_type3A_17, %dot_general3A_624 {dimension_numbers = #tpu.dot_dimension_numbers<[1], [1], [0], [0], [0, 0, 1, 0], [], []>, transpose_lhs_hint = false} : vector<256x512xbf16>, vector<1536x512xbf16>, vector<256x1536xf32> -> vector<256x1536xf32>
    %slice3A_626 = vector.extract_strided_slice %dot_general3A_622 {offsets = [0, 0], sizes = [256, 1024], strides = [1, 1]} : vector<256x1536xf32> to vector<256x1024xf32>
    %slice3A_627 = vector.extract_strided_slice %dot_general3A_625 {offsets = [0, 0], sizes = [256, 1024], strides = [1, 1]} : vector<256x1536xf32> to vector<256x1024xf32>
    %add3A_628 = arith.addf %slice3A_626, %slice3A_627 : vector<256x1024xf32>
    %add3A_629 = vector.broadcast %add3A : vector<1x1024xf32> to vector<256x1024xf32>
    %add3A_630 = arith.addf %add3A_628, %add3A_629 : vector<256x1024xf32>
    %logistic3A_631 = arith.negf %add3A_630 : vector<256x1024xf32>
    %logistic3A_632 = math.exp %logistic3A_631 : vector<256x1024xf32>
    %logistic3A_633 = arith.constant 1.000000e+00 : f32
    %logistic3A_634 = vector.broadcast %logistic3A_633 : f32 to vector<256x1024xf32>
    %logistic3A_635 = arith.addf %logistic3A_634, %logistic3A_632 : vector<256x1024xf32>
    %logistic3A_636 = arith.divf %logistic3A_634, %logistic3A_635 : vector<256x1024xf32>
    %slice3A_637 = vector.extract_strided_slice %logistic3A_636 {offsets = [0, 0], sizes = [256, 512], strides = [1, 1]} : vector<256x1024xf32> to vector<256x512xf32>
    %slice3A_638 = vector.extract_strided_slice %logistic3A_636 {offsets = [0, 512], sizes = [256, 512], strides = [1, 1]} : vector<256x1024xf32> to vector<256x512xf32>
    %slice3A_639 = vector.extract_strided_slice %dot_general3A_622 {offsets = [0, 1024], sizes = [256, 512], strides = [1, 1]} : vector<256x1536xf32> to vector<256x512xf32>
    %add3A_640 = vector.broadcast %slice3A_19 : vector<1x512xf32> to vector<256x512xf32>
    %add3A_641 = arith.addf %slice3A_639, %add3A_640 : vector<256x512xf32>
    %slice3A_642 = vector.extract_strided_slice %dot_general3A_625 {offsets = [0, 1024], sizes = [256, 512], strides = [1, 1]} : vector<256x1536xf32> to vector<256x512xf32>
    %add3A_643 = vector.broadcast %slice3A_20 : vector<1x512xf32> to vector<256x512xf32>
    %add3A_644 = arith.addf %slice3A_642, %add3A_643 : vector<256x512xf32>
    %mul3A_645 = arith.mulf %slice3A_637, %add3A_644 : vector<256x512xf32>
    %add3A_646 = arith.addf %add3A_641, %mul3A_645 : vector<256x512xf32>
    %tanh3A_647 = math.tanh %add3A_646 : vector<256x512xf32>
    %sub3A_648 = arith.subf %add3A_607, %tanh3A_647 : vector<256x512xf32>
    %mul3A_649 = arith.mulf %slice3A_638, %sub3A_648 : vector<256x512xf32>
    %add3A_650 = arith.addf %tanh3A_647, %mul3A_649 : vector<256x512xf32>
    %gt3A_651 = arith.constant 14 : i32
    %gt3A_652 = vector.broadcast %gt3A_651 : i32 to vector<256x1xi32>
    %gt3A_653 = arith.cmpi sgt, %get3A_13, %gt3A_652 : vector<256x1xi32>
    %max3A_654 = arith.maximumf %select_n3A_614, %add3A_650 : vector<256x512xf32>
    %broadcast_in_dim3A_655 = vector.shape_cast %gt3A_653 : vector<256x1xi1> to vector<256x1xi1>
    %broadcast_in_dim3A_656 = vector.broadcast %broadcast_in_dim3A_655 : vector<256x1xi1> to vector<256x512xi1>
    %select_n3A_657 = arith.select %broadcast_in_dim3A_656, %max3A_654, %select_n3A_614 : vector<256x512xi1>, vector<256x512xf32>
    %get3A_658 = arith.constant 15 : index
    %get3A_659 = arith.constant 0 : index
    %get3A_660 = arith.constant 0 : index
    %get3A_661 = vector.load %arg1[%get3A_658, %get3A_659, %get3A_660] : memref<20x256x128xf32, #tpu.memory_space<vmem>>, vector<1x256x128xf32>
    %get3A_662 = vector.shape_cast %get3A_661 : vector<1x256x128xf32> to vector<256x128xf32>
    %convert_element_type3A_663 = arith.truncf %get3A_662 : vector<256x128xf32> to vector<256x128xbf16>
    %dot_general3A_664 = arith.constant dense<0.000000e+00> : vector<256x1536xf32>
    %dot_general3A_665 = tpu.matmul %convert_element_type3A_663, %convert_element_type3A, %dot_general3A_664 {dimension_numbers = #tpu.dot_dimension_numbers<[1], [1], [0], [0], [0, 0, 1, 0], [], []>, transpose_lhs_hint = false} : vector<256x128xbf16>, vector<1536x128xbf16>, vector<256x1536xf32> -> vector<256x1536xf32>
    %convert_element_type3A_666 = arith.truncf %add3A_650 : vector<256x512xf32> to vector<256x512xbf16>
    %dot_general3A_667 = arith.constant dense<0.000000e+00> : vector<256x1536xf32>
    %dot_general3A_668 = tpu.matmul %convert_element_type3A_666, %convert_element_type3A_17, %dot_general3A_667 {dimension_numbers = #tpu.dot_dimension_numbers<[1], [1], [0], [0], [0, 0, 1, 0], [], []>, transpose_lhs_hint = false} : vector<256x512xbf16>, vector<1536x512xbf16>, vector<256x1536xf32> -> vector<256x1536xf32>
    %slice3A_669 = vector.extract_strided_slice %dot_general3A_665 {offsets = [0, 0], sizes = [256, 1024], strides = [1, 1]} : vector<256x1536xf32> to vector<256x1024xf32>
    %slice3A_670 = vector.extract_strided_slice %dot_general3A_668 {offsets = [0, 0], sizes = [256, 1024], strides = [1, 1]} : vector<256x1536xf32> to vector<256x1024xf32>
    %add3A_671 = arith.addf %slice3A_669, %slice3A_670 : vector<256x1024xf32>
    %add3A_672 = vector.broadcast %add3A : vector<1x1024xf32> to vector<256x1024xf32>
    %add3A_673 = arith.addf %add3A_671, %add3A_672 : vector<256x1024xf32>
    %logistic3A_674 = arith.negf %add3A_673 : vector<256x1024xf32>
    %logistic3A_675 = math.exp %logistic3A_674 : vector<256x1024xf32>
    %logistic3A_676 = arith.constant 1.000000e+00 : f32
    %logistic3A_677 = vector.broadcast %logistic3A_676 : f32 to vector<256x1024xf32>
    %logistic3A_678 = arith.addf %logistic3A_677, %logistic3A_675 : vector<256x1024xf32>
    %logistic3A_679 = arith.divf %logistic3A_677, %logistic3A_678 : vector<256x1024xf32>
    %slice3A_680 = vector.extract_strided_slice %logistic3A_679 {offsets = [0, 0], sizes = [256, 512], strides = [1, 1]} : vector<256x1024xf32> to vector<256x512xf32>
    %slice3A_681 = vector.extract_strided_slice %logistic3A_679 {offsets = [0, 512], sizes = [256, 512], strides = [1, 1]} : vector<256x1024xf32> to vector<256x512xf32>
    %slice3A_682 = vector.extract_strided_slice %dot_general3A_665 {offsets = [0, 1024], sizes = [256, 512], strides = [1, 1]} : vector<256x1536xf32> to vector<256x512xf32>
    %add3A_683 = vector.broadcast %slice3A_19 : vector<1x512xf32> to vector<256x512xf32>
    %add3A_684 = arith.addf %slice3A_682, %add3A_683 : vector<256x512xf32>
    %slice3A_685 = vector.extract_strided_slice %dot_general3A_668 {offsets = [0, 1024], sizes = [256, 512], strides = [1, 1]} : vector<256x1536xf32> to vector<256x512xf32>
    %add3A_686 = vector.broadcast %slice3A_20 : vector<1x512xf32> to vector<256x512xf32>
    %add3A_687 = arith.addf %slice3A_685, %add3A_686 : vector<256x512xf32>
    %mul3A_688 = arith.mulf %slice3A_680, %add3A_687 : vector<256x512xf32>
    %add3A_689 = arith.addf %add3A_684, %mul3A_688 : vector<256x512xf32>
    %tanh3A_690 = math.tanh %add3A_689 : vector<256x512xf32>
    %sub3A_691 = arith.subf %add3A_650, %tanh3A_690 : vector<256x512xf32>
    %mul3A_692 = arith.mulf %slice3A_681, %sub3A_691 : vector<256x512xf32>
    %add3A_693 = arith.addf %tanh3A_690, %mul3A_692 : vector<256x512xf32>
    %gt3A_694 = arith.constant 15 : i32
    %gt3A_695 = vector.broadcast %gt3A_694 : i32 to vector<256x1xi32>
    %gt3A_696 = arith.cmpi sgt, %get3A_13, %gt3A_695 : vector<256x1xi32>
    %max3A_697 = arith.maximumf %select_n3A_657, %add3A_693 : vector<256x512xf32>
    %broadcast_in_dim3A_698 = vector.shape_cast %gt3A_696 : vector<256x1xi1> to vector<256x1xi1>
    %broadcast_in_dim3A_699 = vector.broadcast %broadcast_in_dim3A_698 : vector<256x1xi1> to vector<256x512xi1>
    %select_n3A_700 = arith.select %broadcast_in_dim3A_699, %max3A_697, %select_n3A_657 : vector<256x512xi1>, vector<256x512xf32>
    %get3A_701 = arith.constant 16 : index
    %get3A_702 = arith.constant 0 : index
    %get3A_703 = arith.constant 0 : index
    %get3A_704 = vector.load %arg1[%get3A_701, %get3A_702, %get3A_703] : memref<20x256x128xf32, #tpu.memory_space<vmem>>, vector<1x256x128xf32>
    %get3A_705 = vector.shape_cast %get3A_704 : vector<1x256x128xf32> to vector<256x128xf32>
    %convert_element_type3A_706 = arith.truncf %get3A_705 : vector<256x128xf32> to vector<256x128xbf16>
    %dot_general3A_707 = arith.constant dense<0.000000e+00> : vector<256x1536xf32>
    %dot_general3A_708 = tpu.matmul %convert_element_type3A_706, %convert_element_type3A, %dot_general3A_707 {dimension_numbers = #tpu.dot_dimension_numbers<[1], [1], [0], [0], [0, 0, 1, 0], [], []>, transpose_lhs_hint = false} : vector<256x128xbf16>, vector<1536x128xbf16>, vector<256x1536xf32> -> vector<256x1536xf32>
    %convert_element_type3A_709 = arith.truncf %add3A_693 : vector<256x512xf32> to vector<256x512xbf16>
    %dot_general3A_710 = arith.constant dense<0.000000e+00> : vector<256x1536xf32>
    %dot_general3A_711 = tpu.matmul %convert_element_type3A_709, %convert_element_type3A_17, %dot_general3A_710 {dimension_numbers = #tpu.dot_dimension_numbers<[1], [1], [0], [0], [0, 0, 1, 0], [], []>, transpose_lhs_hint = false} : vector<256x512xbf16>, vector<1536x512xbf16>, vector<256x1536xf32> -> vector<256x1536xf32>
    %slice3A_712 = vector.extract_strided_slice %dot_general3A_708 {offsets = [0, 0], sizes = [256, 1024], strides = [1, 1]} : vector<256x1536xf32> to vector<256x1024xf32>
    %slice3A_713 = vector.extract_strided_slice %dot_general3A_711 {offsets = [0, 0], sizes = [256, 1024], strides = [1, 1]} : vector<256x1536xf32> to vector<256x1024xf32>
    %add3A_714 = arith.addf %slice3A_712, %slice3A_713 : vector<256x1024xf32>
    %add3A_715 = vector.broadcast %add3A : vector<1x1024xf32> to vector<256x1024xf32>
    %add3A_716 = arith.addf %add3A_714, %add3A_715 : vector<256x1024xf32>
    %logistic3A_717 = arith.negf %add3A_716 : vector<256x1024xf32>
    %logistic3A_718 = math.exp %logistic3A_717 : vector<256x1024xf32>
    %logistic3A_719 = arith.constant 1.000000e+00 : f32
    %logistic3A_720 = vector.broadcast %logistic3A_719 : f32 to vector<256x1024xf32>
    %logistic3A_721 = arith.addf %logistic3A_720, %logistic3A_718 : vector<256x1024xf32>
    %logistic3A_722 = arith.divf %logistic3A_720, %logistic3A_721 : vector<256x1024xf32>
    %slice3A_723 = vector.extract_strided_slice %logistic3A_722 {offsets = [0, 0], sizes = [256, 512], strides = [1, 1]} : vector<256x1024xf32> to vector<256x512xf32>
    %slice3A_724 = vector.extract_strided_slice %logistic3A_722 {offsets = [0, 512], sizes = [256, 512], strides = [1, 1]} : vector<256x1024xf32> to vector<256x512xf32>
    %slice3A_725 = vector.extract_strided_slice %dot_general3A_708 {offsets = [0, 1024], sizes = [256, 512], strides = [1, 1]} : vector<256x1536xf32> to vector<256x512xf32>
    %add3A_726 = vector.broadcast %slice3A_19 : vector<1x512xf32> to vector<256x512xf32>
    %add3A_727 = arith.addf %slice3A_725, %add3A_726 : vector<256x512xf32>
    %slice3A_728 = vector.extract_strided_slice %dot_general3A_711 {offsets = [0, 1024], sizes = [256, 512], strides = [1, 1]} : vector<256x1536xf32> to vector<256x512xf32>
    %add3A_729 = vector.broadcast %slice3A_20 : vector<1x512xf32> to vector<256x512xf32>
    %add3A_730 = arith.addf %slice3A_728, %add3A_729 : vector<256x512xf32>
    %mul3A_731 = arith.mulf %slice3A_723, %add3A_730 : vector<256x512xf32>
    %add3A_732 = arith.addf %add3A_727, %mul3A_731 : vector<256x512xf32>
    %tanh3A_733 = math.tanh %add3A_732 : vector<256x512xf32>
    %sub3A_734 = arith.subf %add3A_693, %tanh3A_733 : vector<256x512xf32>
    %mul3A_735 = arith.mulf %slice3A_724, %sub3A_734 : vector<256x512xf32>
    %add3A_736 = arith.addf %tanh3A_733, %mul3A_735 : vector<256x512xf32>
    %gt3A_737 = arith.constant 16 : i32
    %gt3A_738 = vector.broadcast %gt3A_737 : i32 to vector<256x1xi32>
    %gt3A_739 = arith.cmpi sgt, %get3A_13, %gt3A_738 : vector<256x1xi32>
    %max3A_740 = arith.maximumf %select_n3A_700, %add3A_736 : vector<256x512xf32>
    %broadcast_in_dim3A_741 = vector.shape_cast %gt3A_739 : vector<256x1xi1> to vector<256x1xi1>
    %broadcast_in_dim3A_742 = vector.broadcast %broadcast_in_dim3A_741 : vector<256x1xi1> to vector<256x512xi1>
    %select_n3A_743 = arith.select %broadcast_in_dim3A_742, %max3A_740, %select_n3A_700 : vector<256x512xi1>, vector<256x512xf32>
    %get3A_744 = arith.constant 17 : index
    %get3A_745 = arith.constant 0 : index
    %get3A_746 = arith.constant 0 : index
    %get3A_747 = vector.load %arg1[%get3A_744, %get3A_745, %get3A_746] : memref<20x256x128xf32, #tpu.memory_space<vmem>>, vector<1x256x128xf32>
    %get3A_748 = vector.shape_cast %get3A_747 : vector<1x256x128xf32> to vector<256x128xf32>
    %convert_element_type3A_749 = arith.truncf %get3A_748 : vector<256x128xf32> to vector<256x128xbf16>
    %dot_general3A_750 = arith.constant dense<0.000000e+00> : vector<256x1536xf32>
    %dot_general3A_751 = tpu.matmul %convert_element_type3A_749, %convert_element_type3A, %dot_general3A_750 {dimension_numbers = #tpu.dot_dimension_numbers<[1], [1], [0], [0], [0, 0, 1, 0], [], []>, transpose_lhs_hint = false} : vector<256x128xbf16>, vector<1536x128xbf16>, vector<256x1536xf32> -> vector<256x1536xf32>
    %convert_element_type3A_752 = arith.truncf %add3A_736 : vector<256x512xf32> to vector<256x512xbf16>
    %dot_general3A_753 = arith.constant dense<0.000000e+00> : vector<256x1536xf32>
    %dot_general3A_754 = tpu.matmul %convert_element_type3A_752, %convert_element_type3A_17, %dot_general3A_753 {dimension_numbers = #tpu.dot_dimension_numbers<[1], [1], [0], [0], [0, 0, 1, 0], [], []>, transpose_lhs_hint = false} : vector<256x512xbf16>, vector<1536x512xbf16>, vector<256x1536xf32> -> vector<256x1536xf32>
    %slice3A_755 = vector.extract_strided_slice %dot_general3A_751 {offsets = [0, 0], sizes = [256, 1024], strides = [1, 1]} : vector<256x1536xf32> to vector<256x1024xf32>
    %slice3A_756 = vector.extract_strided_slice %dot_general3A_754 {offsets = [0, 0], sizes = [256, 1024], strides = [1, 1]} : vector<256x1536xf32> to vector<256x1024xf32>
    %add3A_757 = arith.addf %slice3A_755, %slice3A_756 : vector<256x1024xf32>
    %add3A_758 = vector.broadcast %add3A : vector<1x1024xf32> to vector<256x1024xf32>
    %add3A_759 = arith.addf %add3A_757, %add3A_758 : vector<256x1024xf32>
    %logistic3A_760 = arith.negf %add3A_759 : vector<256x1024xf32>
    %logistic3A_761 = math.exp %logistic3A_760 : vector<256x1024xf32>
    %logistic3A_762 = arith.constant 1.000000e+00 : f32
    %logistic3A_763 = vector.broadcast %logistic3A_762 : f32 to vector<256x1024xf32>
    %logistic3A_764 = arith.addf %logistic3A_763, %logistic3A_761 : vector<256x1024xf32>
    %logistic3A_765 = arith.divf %logistic3A_763, %logistic3A_764 : vector<256x1024xf32>
    %slice3A_766 = vector.extract_strided_slice %logistic3A_765 {offsets = [0, 0], sizes = [256, 512], strides = [1, 1]} : vector<256x1024xf32> to vector<256x512xf32>
    %slice3A_767 = vector.extract_strided_slice %logistic3A_765 {offsets = [0, 512], sizes = [256, 512], strides = [1, 1]} : vector<256x1024xf32> to vector<256x512xf32>
    %slice3A_768 = vector.extract_strided_slice %dot_general3A_751 {offsets = [0, 1024], sizes = [256, 512], strides = [1, 1]} : vector<256x1536xf32> to vector<256x512xf32>
    %add3A_769 = vector.broadcast %slice3A_19 : vector<1x512xf32> to vector<256x512xf32>
    %add3A_770 = arith.addf %slice3A_768, %add3A_769 : vector<256x512xf32>
    %slice3A_771 = vector.extract_strided_slice %dot_general3A_754 {offsets = [0, 1024], sizes = [256, 512], strides = [1, 1]} : vector<256x1536xf32> to vector<256x512xf32>
    %add3A_772 = vector.broadcast %slice3A_20 : vector<1x512xf32> to vector<256x512xf32>
    %add3A_773 = arith.addf %slice3A_771, %add3A_772 : vector<256x512xf32>
    %mul3A_774 = arith.mulf %slice3A_766, %add3A_773 : vector<256x512xf32>
    %add3A_775 = arith.addf %add3A_770, %mul3A_774 : vector<256x512xf32>
    %tanh3A_776 = math.tanh %add3A_775 : vector<256x512xf32>
    %sub3A_777 = arith.subf %add3A_736, %tanh3A_776 : vector<256x512xf32>
    %mul3A_778 = arith.mulf %slice3A_767, %sub3A_777 : vector<256x512xf32>
    %add3A_779 = arith.addf %tanh3A_776, %mul3A_778 : vector<256x512xf32>
    %gt3A_780 = arith.constant 17 : i32
    %gt3A_781 = vector.broadcast %gt3A_780 : i32 to vector<256x1xi32>
    %gt3A_782 = arith.cmpi sgt, %get3A_13, %gt3A_781 : vector<256x1xi32>
    %max3A_783 = arith.maximumf %select_n3A_743, %add3A_779 : vector<256x512xf32>
    %broadcast_in_dim3A_784 = vector.shape_cast %gt3A_782 : vector<256x1xi1> to vector<256x1xi1>
    %broadcast_in_dim3A_785 = vector.broadcast %broadcast_in_dim3A_784 : vector<256x1xi1> to vector<256x512xi1>
    %select_n3A_786 = arith.select %broadcast_in_dim3A_785, %max3A_783, %select_n3A_743 : vector<256x512xi1>, vector<256x512xf32>
    %get3A_787 = arith.constant 18 : index
    %get3A_788 = arith.constant 0 : index
    %get3A_789 = arith.constant 0 : index
    %get3A_790 = vector.load %arg1[%get3A_787, %get3A_788, %get3A_789] : memref<20x256x128xf32, #tpu.memory_space<vmem>>, vector<1x256x128xf32>
    %get3A_791 = vector.shape_cast %get3A_790 : vector<1x256x128xf32> to vector<256x128xf32>
    %convert_element_type3A_792 = arith.truncf %get3A_791 : vector<256x128xf32> to vector<256x128xbf16>
    %dot_general3A_793 = arith.constant dense<0.000000e+00> : vector<256x1536xf32>
    %dot_general3A_794 = tpu.matmul %convert_element_type3A_792, %convert_element_type3A, %dot_general3A_793 {dimension_numbers = #tpu.dot_dimension_numbers<[1], [1], [0], [0], [0, 0, 1, 0], [], []>, transpose_lhs_hint = false} : vector<256x128xbf16>, vector<1536x128xbf16>, vector<256x1536xf32> -> vector<256x1536xf32>
    %convert_element_type3A_795 = arith.truncf %add3A_779 : vector<256x512xf32> to vector<256x512xbf16>
    %dot_general3A_796 = arith.constant dense<0.000000e+00> : vector<256x1536xf32>
    %dot_general3A_797 = tpu.matmul %convert_element_type3A_795, %convert_element_type3A_17, %dot_general3A_796 {dimension_numbers = #tpu.dot_dimension_numbers<[1], [1], [0], [0], [0, 0, 1, 0], [], []>, transpose_lhs_hint = false} : vector<256x512xbf16>, vector<1536x512xbf16>, vector<256x1536xf32> -> vector<256x1536xf32>
    %slice3A_798 = vector.extract_strided_slice %dot_general3A_794 {offsets = [0, 0], sizes = [256, 1024], strides = [1, 1]} : vector<256x1536xf32> to vector<256x1024xf32>
    %slice3A_799 = vector.extract_strided_slice %dot_general3A_797 {offsets = [0, 0], sizes = [256, 1024], strides = [1, 1]} : vector<256x1536xf32> to vector<256x1024xf32>
    %add3A_800 = arith.addf %slice3A_798, %slice3A_799 : vector<256x1024xf32>
    %add3A_801 = vector.broadcast %add3A : vector<1x1024xf32> to vector<256x1024xf32>
    %add3A_802 = arith.addf %add3A_800, %add3A_801 : vector<256x1024xf32>
    %logistic3A_803 = arith.negf %add3A_802 : vector<256x1024xf32>
    %logistic3A_804 = math.exp %logistic3A_803 : vector<256x1024xf32>
    %logistic3A_805 = arith.constant 1.000000e+00 : f32
    %logistic3A_806 = vector.broadcast %logistic3A_805 : f32 to vector<256x1024xf32>
    %logistic3A_807 = arith.addf %logistic3A_806, %logistic3A_804 : vector<256x1024xf32>
    %logistic3A_808 = arith.divf %logistic3A_806, %logistic3A_807 : vector<256x1024xf32>
    %slice3A_809 = vector.extract_strided_slice %logistic3A_808 {offsets = [0, 0], sizes = [256, 512], strides = [1, 1]} : vector<256x1024xf32> to vector<256x512xf32>
    %slice3A_810 = vector.extract_strided_slice %logistic3A_808 {offsets = [0, 512], sizes = [256, 512], strides = [1, 1]} : vector<256x1024xf32> to vector<256x512xf32>
    %slice3A_811 = vector.extract_strided_slice %dot_general3A_794 {offsets = [0, 1024], sizes = [256, 512], strides = [1, 1]} : vector<256x1536xf32> to vector<256x512xf32>
    %add3A_812 = vector.broadcast %slice3A_19 : vector<1x512xf32> to vector<256x512xf32>
    %add3A_813 = arith.addf %slice3A_811, %add3A_812 : vector<256x512xf32>
    %slice3A_814 = vector.extract_strided_slice %dot_general3A_797 {offsets = [0, 1024], sizes = [256, 512], strides = [1, 1]} : vector<256x1536xf32> to vector<256x512xf32>
    %add3A_815 = vector.broadcast %slice3A_20 : vector<1x512xf32> to vector<256x512xf32>
    %add3A_816 = arith.addf %slice3A_814, %add3A_815 : vector<256x512xf32>
    %mul3A_817 = arith.mulf %slice3A_809, %add3A_816 : vector<256x512xf32>
    %add3A_818 = arith.addf %add3A_813, %mul3A_817 : vector<256x512xf32>
    %tanh3A_819 = math.tanh %add3A_818 : vector<256x512xf32>
    %sub3A_820 = arith.subf %add3A_779, %tanh3A_819 : vector<256x512xf32>
    %mul3A_821 = arith.mulf %slice3A_810, %sub3A_820 : vector<256x512xf32>
    %add3A_822 = arith.addf %tanh3A_819, %mul3A_821 : vector<256x512xf32>
    %gt3A_823 = arith.constant 18 : i32
    %gt3A_824 = vector.broadcast %gt3A_823 : i32 to vector<256x1xi32>
    %gt3A_825 = arith.cmpi sgt, %get3A_13, %gt3A_824 : vector<256x1xi32>
    %max3A_826 = arith.maximumf %select_n3A_786, %add3A_822 : vector<256x512xf32>
    %broadcast_in_dim3A_827 = vector.shape_cast %gt3A_825 : vector<256x1xi1> to vector<256x1xi1>
    %broadcast_in_dim3A_828 = vector.broadcast %broadcast_in_dim3A_827 : vector<256x1xi1> to vector<256x512xi1>
    %select_n3A_829 = arith.select %broadcast_in_dim3A_828, %max3A_826, %select_n3A_786 : vector<256x512xi1>, vector<256x512xf32>
    %get3A_830 = arith.constant 19 : index
    %get3A_831 = arith.constant 0 : index
    %get3A_832 = arith.constant 0 : index
    %get3A_833 = vector.load %arg1[%get3A_830, %get3A_831, %get3A_832] : memref<20x256x128xf32, #tpu.memory_space<vmem>>, vector<1x256x128xf32>
    %get3A_834 = vector.shape_cast %get3A_833 : vector<1x256x128xf32> to vector<256x128xf32>
    %convert_element_type3A_835 = arith.truncf %get3A_834 : vector<256x128xf32> to vector<256x128xbf16>
    %dot_general3A_836 = arith.constant dense<0.000000e+00> : vector<256x1536xf32>
    %dot_general3A_837 = tpu.matmul %convert_element_type3A_835, %convert_element_type3A, %dot_general3A_836 {dimension_numbers = #tpu.dot_dimension_numbers<[1], [1], [0], [0], [0, 0, 1, 0], [], []>, transpose_lhs_hint = false} : vector<256x128xbf16>, vector<1536x128xbf16>, vector<256x1536xf32> -> vector<256x1536xf32>
    %convert_element_type3A_838 = arith.truncf %add3A_822 : vector<256x512xf32> to vector<256x512xbf16>
    %dot_general3A_839 = arith.constant dense<0.000000e+00> : vector<256x1536xf32>
    %dot_general3A_840 = tpu.matmul %convert_element_type3A_838, %convert_element_type3A_17, %dot_general3A_839 {dimension_numbers = #tpu.dot_dimension_numbers<[1], [1], [0], [0], [0, 0, 1, 0], [], []>, transpose_lhs_hint = false} : vector<256x512xbf16>, vector<1536x512xbf16>, vector<256x1536xf32> -> vector<256x1536xf32>
    %slice3A_841 = vector.extract_strided_slice %dot_general3A_837 {offsets = [0, 0], sizes = [256, 1024], strides = [1, 1]} : vector<256x1536xf32> to vector<256x1024xf32>
    %slice3A_842 = vector.extract_strided_slice %dot_general3A_840 {offsets = [0, 0], sizes = [256, 1024], strides = [1, 1]} : vector<256x1536xf32> to vector<256x1024xf32>
    %add3A_843 = arith.addf %slice3A_841, %slice3A_842 : vector<256x1024xf32>
    %add3A_844 = vector.broadcast %add3A : vector<1x1024xf32> to vector<256x1024xf32>
    %add3A_845 = arith.addf %add3A_843, %add3A_844 : vector<256x1024xf32>
    %logistic3A_846 = arith.negf %add3A_845 : vector<256x1024xf32>
    %logistic3A_847 = math.exp %logistic3A_846 : vector<256x1024xf32>
    %logistic3A_848 = arith.constant 1.000000e+00 : f32
    %logistic3A_849 = vector.broadcast %logistic3A_848 : f32 to vector<256x1024xf32>
    %logistic3A_850 = arith.addf %logistic3A_849, %logistic3A_847 : vector<256x1024xf32>
    %logistic3A_851 = arith.divf %logistic3A_849, %logistic3A_850 : vector<256x1024xf32>
    %slice3A_852 = vector.extract_strided_slice %logistic3A_851 {offsets = [0, 0], sizes = [256, 512], strides = [1, 1]} : vector<256x1024xf32> to vector<256x512xf32>
    %slice3A_853 = vector.extract_strided_slice %logistic3A_851 {offsets = [0, 512], sizes = [256, 512], strides = [1, 1]} : vector<256x1024xf32> to vector<256x512xf32>
    %slice3A_854 = vector.extract_strided_slice %dot_general3A_837 {offsets = [0, 1024], sizes = [256, 512], strides = [1, 1]} : vector<256x1536xf32> to vector<256x512xf32>
    %add3A_855 = vector.broadcast %slice3A_19 : vector<1x512xf32> to vector<256x512xf32>
    %add3A_856 = arith.addf %slice3A_854, %add3A_855 : vector<256x512xf32>
    %slice3A_857 = vector.extract_strided_slice %dot_general3A_840 {offsets = [0, 1024], sizes = [256, 512], strides = [1, 1]} : vector<256x1536xf32> to vector<256x512xf32>
    %add3A_858 = vector.broadcast %slice3A_20 : vector<1x512xf32> to vector<256x512xf32>
    %add3A_859 = arith.addf %slice3A_857, %add3A_858 : vector<256x512xf32>
    %mul3A_860 = arith.mulf %slice3A_852, %add3A_859 : vector<256x512xf32>
    %add3A_861 = arith.addf %add3A_856, %mul3A_860 : vector<256x512xf32>
    %tanh3A_862 = math.tanh %add3A_861 : vector<256x512xf32>
    %sub3A_863 = arith.subf %add3A_822, %tanh3A_862 : vector<256x512xf32>
    %mul3A_864 = arith.mulf %slice3A_853, %sub3A_863 : vector<256x512xf32>
    %add3A_865 = arith.addf %tanh3A_862, %mul3A_864 : vector<256x512xf32>
    %gt3A_866 = arith.constant 19 : i32
    %gt3A_867 = vector.broadcast %gt3A_866 : i32 to vector<256x1xi32>
    %gt3A_868 = arith.cmpi sgt, %get3A_13, %gt3A_867 : vector<256x1xi32>
    %max3A_869 = arith.maximumf %select_n3A_829, %add3A_865 : vector<256x512xf32>
    %broadcast_in_dim3A_870 = vector.shape_cast %gt3A_868 : vector<256x1xi1> to vector<256x1xi1>
    %broadcast_in_dim3A_871 = vector.broadcast %broadcast_in_dim3A_870 : vector<256x1xi1> to vector<256x512xi1>
    %select_n3A_872 = arith.select %broadcast_in_dim3A_871, %max3A_869, %select_n3A_829 : vector<256x512xi1>, vector<256x512xf32>
    %swap3A = arith.constant 0 : index
    %swap3A_873 = arith.constant 0 : index
    %swap3A_874 = vector.load %arg7[%swap3A, %swap3A_873] : memref<256x512xf32, #tpu.memory_space<vmem>>, vector<256x512xf32>
    tpu.vector_store %arg7[%swap3A, %swap3A_873], %select_n3A_872 {strides = array<i32>} : memref<256x512xf32, #tpu.memory_space<vmem>>, vector<256x512xf32>,
    return
  }
  func.func @transform_0(%arg0: i32) -> (i32, i32, i32) {
    %c0_i32 = arith.constant 0 : i32
    %c0_i32_0 = arith.constant 0 : i32
    %c0_i32_1 = arith.constant 0 : i32
    return %c0_i32, %arg0, %c0_i32_0 : i32, i32, i32
  }
  func.func @transform_1(%arg0: i32) -> (i32, i32) {
    %c0_i32 = arith.constant 0 : i32
    %c0_i32_0 = arith.constant 0 : i32
    return %arg0, %c0_i32 : i32, i32
  }
  func.func @transform_2(%arg0: i32) -> (i32, i32) {
    %c0_i32 = arith.constant 0 : i32
    %c0_i32_0 = arith.constant 0 : i32
    %c0_i32_1 = arith.constant 0 : i32
    return %c0_i32, %c0_i32_0 : i32, i32
  }
  func.func @transform_3(%arg0: i32) -> (i32, i32) {
    %c0_i32 = arith.constant 0 : i32
    %c0_i32_0 = arith.constant 0 : i32
    %c0_i32_1 = arith.constant 0 : i32
    return %c0_i32, %c0_i32_0 : i32, i32
  }
  func.func @transform_4(%arg0: i32) -> (i32, i32) {
    %c0_i32 = arith.constant 0 : i32
    %c0_i32_0 = arith.constant 0 : i32
    %c0_i32_1 = arith.constant 0 : i32
    return %c0_i32, %c0_i32_0 : i32, i32
  }
  func.func @transform_5(%arg0: i32) -> (i32, i32) {
    %c0_i32 = arith.constant 0 : i32
    %c0_i32_0 = arith.constant 0 : i32
    %c0_i32_1 = arith.constant 0 : i32
    return %c0_i32, %c0_i32_0 : i32, i32
  }
  func.func @transform_6(%arg0: i32) -> (i32, i32) {
    %c0_i32 = arith.constant 0 : i32
    %c0_i32_0 = arith.constant 0 : i32
    return %arg0, %c0_i32 : i32, i32
  }
}

</mosaic_0001>

<sc_bundles>
// kernel: kernel.4.cloned.1.call-start
scs
__scs_entry_jumppad:
0x0: {  	(pc) =	sbr.rel $0x88, $3  }
0x1: {  	(tag) =	ssettag $0x0;
	lr =	simm.s32 $0x1  }
0x2: {  	[smem:$0x3F9A] =	sst lr;
	_ =	strace $0xD0000000  }
0x3: {  	_ = 	snop  }
0x4: {  	_ = 	snop  }
0x5: {  	_ = 	snop  }
0x6: {  	_ = 	snop  }
0x7: {  	_ = 	snop  }
__scs_overlays_trampoline_lowered:
0x8: {  	[smem:$0x3FA9] =	sst s0  }
0x9: {  	[smem:$0x3FAA] =	sst s1  }
0xa: {  	[smem:$0x3FAB] =	sst s2  }
0xb: {  	[smem:$0x3FAC] =	sst s3  }
0xc: {  	[smem:$0x3FAD] =	sst s4  }
0xd: {  	[smem:$0x3FAE] =	sst s5  }
0xe: {  	[smem:$0x3FAF] =	sst s6  }
0xf: {  	[smem:$0x3FB0] =	sst s7  }
0x10: {  	[smem:$0x3FB1] =	sst s8  }
0x11: {  	[smem:$0x3FB2] =	sst s9;
	s0 =	simm.s32 @!p0 $0x0  }
0x12: {  	s1 =	sld [smem:$0x3F98];
	s0 =	simm.s32 @p0 $0x1  }
0x13: {  	[smem:$0x3FB3] =	sst s0;
	s0 =	simm.s32 @!p1 $0x0  }
0x14: {  	s2 =	sld [smem:$0x3F97];
	s0 =	simm.s32 @p1 $0x1  }
0x15: {  	[smem:$0x3FB4] =	sst s0;
	s0 =	simm.s32 @!p2 $0x0  }
0x16: {  	s3 =	sld [smem:$0x3FDB];
	s0 =	simm.s32 @p2 $0x1  }
0x17: {  	s4 =	simm.s32 $0x1BF5;
	[smem:$0x3FB6] =	sst s0  }
0x18: {  	s0 =	sld [smem:$0x3F99];
	_ =	swait.ge [sflag:s4], $0x0  }
0x19: {  	s7 =	sld [smem:$0x3F9A]  }
0x1a: {  	s8 =	sadd.s32 $0xFFFFE003, lr  }
0x1b: {  	s9 =	sadd.s32 $0xFFFFFEF7, lr;
	s5 =	simm.s32 $0xFFFFFFFF;
	p2 =	slt.u32 s8, $0xFFFFF086  }
0x1c: {  	p1 =	slt.u32 s9, $0xF7A;
	s5 =	simm.s32 @!p2 $0x0  }
0x1d: {  	s5 =	simm.s32 @p1 $0x1;
	p0 =	seq.s32 s7, s2  }
0x1e: {  	s7 =	smul.u32 @!p0 $0xF7A, s2;
	p2 =	seq.s32 @!p0 s5, $0x0  }
0x1f: {  	s9 =	smul.u32 $0xF7A, s1;
	s8 =	simm.s32 @!p0 $0x1BF5;
	p2 =	por !p2, p0  }
0x20: {  	[sflag:s8] =	ssyncset.s32 @!p0 $0xFFFFF086;
	s6 =	sadd.s32 @!p0 s3, s7;
	s7 =	simm.s32 @!p0 $0x108  }
0x21: {  	s3 =	sadd.s32 s3, s9;
	s6 =	sadd.s32 @!p0 $0x88, s6;
	s7 =	simm.s32 @p2 $0x1082  }
0x22: {  	[simem:s7], [sflag:s8] =	dma.local @!p0 [hbm:s6], $0xF7A  }
0x23: {  	s9 =	sor.u32 $0xD0000000, s2;
	s6 =	simm.s32 $0x108;
	_ =	swait.ge @!p0 [sflag:s8], $0x0  }
0x24: {  	s3 =	sadd.s32 $0x88, s3;
	s6 =	simm.s32 @!p1 $0x1082;
	[sflag:s4] =	ssyncset.s32 $0xFFFFF086  }
0x25: {  	[simem:s6], [sflag:s4] =	dma.local [hbm:s3], $0xF7A  }
0x26: {  	[smem:$0x3F9A] =	sst s1;
	(tag) =	ssettag s2;
	_ =	strace s9  }
0x27: {  	s1 =	sld [smem:$0x3FAA]  }
0x28: {  	s2 =	sld [smem:$0x3FAB]  }
0x29: {  	s4 =	sld [smem:$0x3FAD]  }
0x2a: {  	p0 =	seq.s32 s5, $0x0;
	s5 =	sld [smem:$0x3FAE]  }
0x2b: {  	s6 =	sld [smem:$0x3FAF]  }
0x2c: {  	s7 =	sld [smem:$0x3FB0]  }
0x2d: {  	s3 =	simm.s32 $0x108;
	s8 =	sld [smem:$0x3FB1]  }
0x2e: {  	s3 =	simm.s32 @!p0 $0x1082;
	s9 =	sld [smem:$0x3FB2]  }
0x2f: {  	lr =	sadd.s32 s0, s3;
	s0 =	sld [smem:$0x3FA9]  }
0x30: {  	s3 =	sld [smem:$0x3FAC]  }
0x31: {  	[smem:$0x3FB5] =	sst s10  }
0x32: {  	s10 =	sld [smem:$0x3FB3];
	_ =	sdelay $0x3  }
0x33: {  	p0 =	seq.s32 s10, $0x1;
	s10 =	sld [smem:$0x3FB5];
	_ =	sdelay $0x3  }
0x34: {  	[smem:$0x3FB5] =	sst s10  }
0x35: {  	s10 =	sld [smem:$0x3FB4];
	_ =	sdelay $0x3  }
0x36: {  	p1 =	seq.s32 s10, $0x1;
	s10 =	sld [smem:$0x3FB5];
	_ =	sdelay $0x3  }
0x37: {  	[smem:$0x3FB5] =	sst s10  }
0x38: {  	s10 =	sld [smem:$0x3FB6]  }
0x39: {  	_ = 	snop;
	(pc) =	sbr.ind lr, $3  }
0x3a: {  	_ = 	snop  }
0x3b: {  	_ = 	snop  }
0x3c: {  	p2 =	seq.s32 s10, $0x1;
	s10 =	sld [smem:$0x3FB5]  }
0x3d: {  	_ =	shalt  }
0x3e: {  	_ =	shalt  }
0x3f: {  	_ =	shalt  }
0x40: {  	_ =	shalt  }
0x41: {  	_ =	shalt  }
0x42: {  	_ =	shalt  }
0x43: {  	_ =	shalt  }
0x44: {  	_ =	shalt  }
0x45: {  	_ =	shalt  }
0x46: {  	_ =	shalt  }
0x47: {  	_ =	shalt  }
0x48: {  	_ =	shalt  }
0x49: {  	_ =	shalt  }
0x4a: {  	_ =	shalt  }
0x4b: {  	_ =	shalt  }
0x4c: {  	_ =	shalt  }
0x4d: {  	_ =	shalt  }
0x4e: {  	_ =	shalt  }
0x4f: {  	_ =	shalt  }
0x50: {  	_ =	shalt  }
0x51: {  	_ =	shalt  }
0x52: {  	_ =	shalt  }
0x53: {  	_ =	shalt  }
0x54: {  	_ =	shalt  }
0x55: {  	_ =	shalt  }
0x56: {  	_ =	shalt  }
0x57: {  	_ =	shalt  }
0x58: {  	_ =	shalt  }
0x59: {  	_ =	shalt  }
0x5a: {  	_ =	shalt  }
0x5b: {  	_ =	shalt  }
0x5c: {  	_ =	shalt  }
0x5d: {  	_ =	shalt  }
0x5e: {  	_ =	shalt  }
0x5f: {  	_ =	shalt  }
0x60: {  	_ =	shalt  }
0x61: {  	_ =	shalt  }
0x62: {  	_ =	shalt  }
0x63: {  	_ =	shalt  }
0x64: {  	_ =	shalt  }
0x65: {  	_ =	shalt  }
0x66: {  	_ =	shalt  }
0x67: {  	_ =	shalt  }
0x68: {  	_ =	shalt  }
0x69: {  	_ =	shalt  }
0x6a: {  	_ =	shalt  }
0x6b: {  	_ =	shalt  }
0x6c: {  	_ =	shalt  }
0x6d: {  	_ =	shalt  }
0x6e: {  	_ =	shalt  }
0x6f: {  	_ =	shalt  }
0x70: {  	_ =	shalt  }
0x71: {  	_ =	shalt  }
0x72: {  	_ =	shalt  }
0x73: {  	_ =	shalt  }
0x74: {  	_ =	shalt  }
0x75: {  	_ =	shalt  }
0x76: {  	_ =	shalt  }
0x77: {  	_ =	shalt  }
0x78: {  	_ =	shalt  }
0x79: {  	_ =	shalt  }
0x7a: {  	_ =	shalt  }
0x7b: {  	_ =	shalt  }
0x7c: {  	_ =	shalt  }
0x7d: {  	_ =	shalt  }
0x7e: {  	_ =	shalt  }
0x7f: {  	_ =	shalt  }
0x80: {  	_ =	shalt  }
0x81: {  	_ =	shalt  }
0x82: {  	_ =	shalt  }
0x83: {  	_ =	shalt  }
0x84: {  	_ =	shalt  }
0x85: {  	_ =	shalt  }
0x86: {  	_ =	shalt  }
0x87: {  	_ =	shalt  }
.Lfunc_end0:
.L_simem_size_0:
called_computation_lowered:
.L_overlay_start_0:
0x88: {  	s2 =	sld [smem:$0x3FD9]  }
0x89: {  	s3 =	sld [smem:$0x3FFE];
	_ =	sdelay $0x1  }
0x8a: {  	s1 =	srdreg.scid  }
0x8b: {  	s0 =	sand.u32 $0x1, s1  }
0x8c: {  	s15 =	sshll.u32 s0, $0xA;
	s2 =	sadd.s32 s3, s2  }
0x8d: {  	s2 =	sadd.s32 s2, s15  }
0x8e: {  	[smem:$0x3FC1] =	sst s2  }
0x8f: {  	_ = 	snop  }
0x90: {  	s2 =	sld [smem:$0x3FD0];
	_ =	sdelay $0x2  }
0x91: {  	s4 =	simm.s32 $0xA;
	s5 =	simm.s32 $0x10;
	s16 =	sld [smem:$0x3FC7]  }
0x92: {  	[smem:s5], [sflag:s4] =	dma.local [hbm:s2], $0x1  }
0x93: {  	_ =	swait.eq [sflag:s4], $0x1  }
0x94: {  	[sflag:s4] =	ssyncset.done $0x0  }
0x95: {  	s17 =	sld [smem:$0x10];
	[sflag:s4] =	ssyncadd.s32 $0xFFFFFFFF  }
0x96: {  	s18 =	sld [smem:$0x11];
	(tm) =	ssettm $0x1  }
0x97: {  	s19 =	sld [smem:$0x3FFB];
	_ =	sdelay $0x3  }
0x98: {  	_ =	strace s19  }
0x99: {  	s5 =	sld [smem:$0x3FFC];
	_ =	sdelay $0x3  }
0x9a: {  	_ =	strace s5  }
0x9b: {  	s5 =	sld [smem:$0x3FFD];
	_ =	sdelay $0x3  }
0x9c: {  	_ =	strace s5  }
0x9d: {  	_ =	strace $0x8FFFFFFF  }
0x9e: {  	s20 =	sld [smem:$0x3FDB];
	_ =	sdelay $0x1  }
0x9f: {  	s6 =	simm.s32 $_scs_section_size  }
0xa0: {  	s7 =	simm.s32 $_size__tile_overlayer_lowered;
	s8 =	simm.s32 $_tile_overlayer_lowered  }
0xa1: {  	s23 =	simm.s32 $0x1BFF;
	s22 =	sshll.u32 s8, $0x1;
	s5 =	sadd.s32 s6, s20  }
0xa2: {  	s9 =	simm.s32 $0x0;
	s21 =	sshll.u32 s7, $0x1;
	s7 =	sadd.s32 s22, s5  }
0xa3: {  	[timem:s9], [sflag:s23] =	dma.local [hbm:s7], s21  }
0xa4: {  	_ =	swait.ge [sflag:s23], s21  }
0xa5: {  	s6 =	ssub.s32 $0x0, s21;
	[sflag:s23] =	ssyncset.done $0x0  }
0xa6: {  	[sflag:s23] =	ssyncadd.s32 s6;
	_ =	sdelay $0x1  }
0xa7: {  	s24 =	simm.s32 $0x1B8B  }
0xa8: {  	_ =	swait.ge [sflag:s24], $0x1  }
0xa9: {  	[sflag:s24] =	ssyncset.done $0x0  }
0xaa: {  	s25 =	simm.s32 $0x1B8E;
	[sflag:s24] =	ssyncadd.s32 $0xFFFFFFFF  }
0xab: {  	s26 =	simm.s32 $execute0_lowered;
	[smem:$0x3FD2] =	sst s25  }
0xac: {  	s6 =	sshll.u32 s26, $0x1;
	_ =	strace $0x80000046;
	[dreg:$0x1] =	wrdreg $0xFFFFFFFF  }
0xad: {  	s28 =	simm.s32 $_size_execute0_lowered;
	s5 =	sadd.s32 s5, s6;
	[dreg:$0x0] =	wrdreg $0x0  }
0xae: {  	s6 =	sshll.u32 s28, $0x1;
	[dreg:$0x2] =	wrdreg s5  }
0xaf: {  	[dreg:$0x3] =	wrdreg s6  }
0xb0: {  	[dreg:$0x4] =	wrdreg $0xC0  }
0xb1: {  	_ =	task [dreg:s9], $0x5FFFF  }
0xb2: {  	[dreg:$0x1] =	wrdreg $0xFFFFFFFF  }
0xb3: {  	[dreg:$0x0] =	wrdreg $0x60  }
0xb4: {  	[dreg:$0x2] =	wrdreg s16  }
0xb5: {  	[dreg:$0x3] =	wrdreg s17  }
0xb6: {  	[dreg:$0x4] =	wrdreg s18  }
0xb7: {  	[dreg:$0x5] =	wrdreg $0x9  }
0xb8: {  	_ =	task.clear_ibuf [dreg:s9], $0x6FFFF;
	_ =	strace $0x90000046  }
0xb9: {  	s29 =	simm.s32 $0x9;
	_ =	strace $0x80000048  }
0xba: {  	_ =	swait.ge [sflag:s29], $0x1  }
0xbb: {  	[sflag:s29] =	ssyncadd.s32 $0xFFFFFFFF  }
0xbc: {  	_ =	strace $0x90000048  }
0xbd: {  	_ =	sfence  }
0xbe: {  	s30 =	sld [smem:$0x0];
	_ =	sdelay $0x2  }
0xbf: {  	s31 =	sshll.u32 s1, $0xD;
	s1 =	sshrl.u32 s1, $0x2  }
0xc0: {  	s3 =	sand.u32 $0x4000, s31;
	s1 =	sadd.s32 s1, s30  }
0xc1: {  	s0 =	sor.u32 s3, s0;
	s1 =	sshll.u32 s1, $0x11  }
0xc2: {  	s0 =	sor.u32 s1, s0  }
0xc3: {  	s0 =	sadd.s32 $0x8F2B, s0  }
0xc4: {  	[sflag:s0] =	ssyncadd.remote.s32 $0x1  }
0xc5: {  	_ =	sfence.sel $0xFFFF  }
0xc6: {  	[dreg:$0x0] =	wrdreg $0xFFFFFFFF;
	(pc) =	sbr.abs _section_cstart, $3  }
0xc7: {  	[dreg:$0x1] =	wrdreg $0xFFFFFFFF  }
0xc8: {  	_ =	task.clear_ibuf [dreg:s9], $0x2FFFF;
	_ =	strace $0x9FFFFFFF  }
0xc9: {  	(tm) =	ssettm $0x7FFFFFFF  }
tec
execute0_lowered:
.L_overlay_start_1:
0x0: {  	(tag) =	ssettag $0x1  }
0x1: {  	s2 =	rddreg [dreg:$0x0]  }
0x2: {  	s4 =	rddreg [dreg:$0x1]  }
0x3: {  	s1 =	srdreg.scid;
	s0 =	stileid.u32  }
0x4: {  	s16 =	rddreg [dreg:$0x2];
	s17 =	sand.u32 $0x1, s1;
	s5 =	sshll.u32 s0, $0x1  }
0x5: {  	s3 =	simm.s32 $0x0;
	s1 =	rddreg [dreg:$0x3];
	s18 =	sor.u32 s17, s5  }
0x6: {  	[smem:$0x7FF] =	sst s3;
	s5 =	sshll.u32 s18, $0x7  }
0x7: {  	_ =	strace $0x80000047;
	s5 =	sadd.s32 s4, s5;
	s4 =	simm.s32 $0x2  }
0x8: {  	[tilespmem:s3], [sflag:$0x2] =	stream.linear.gather [hbm4b:s5+s3], $0x280, $0x38;
	[tilespmem:$0x14400] =	vst v63  }
0x9: {  	_ =	swait.ge [sflag:s4], $0x280  }
0xa: {  	[sflag:s4] =	ssyncset.done $0x0  }
0xb: {  	s6 =	simm.s32 $0x80;
	s7 =	simm.s32 $0x400;
	[sflag:s4] =	ssyncadd.s32 $0xFFFFFD80  }
0xc: {  	[tilespmem:s7], [sflag:$0x1] =	stream.indirect.gather [hbm4b:s2+s6], $0x80, s3, s6, $0xb8;
	[tilespmem:$0x14400] =	vst v63  }
0xd: {  	s8 =	simm.s32 $0x4400  }
0xe: {  	[tilespmem:s8], [sflag:$0x1] =	stream.indirect.gather [hbm4b:s2+s6], $0x80, s6, s6, $0xb8;
	[tilespmem:$0x14400] =	vst v63  }
0xf: {  	s9 =	simm.s32 $0x100;
	s10 =	simm.s32 $0x8400  }
0x10: {  	[tilespmem:s10], [sflag:$0x1] =	stream.indirect.gather [hbm4b:s2+s6], $0x80, s9, s6, $0xb8;
	[tilespmem:$0x14400] =	vst v63  }
0x11: {  	s11 =	simm.s32 $0x180;
	s12 =	simm.s32 $0xC400  }
0x12: {  	[tilespmem:s12], [sflag:$0x1] =	stream.indirect.gather [hbm4b:s2+s6], $0x80, s11, s6, $0xb8;
	[tilespmem:$0x14400] =	vst v63  }
0x13: {  	s13 =	simm.s32 $0x200;
	s14 =	simm.s32 $0x10400;
	s15 =	simm.s32 $0x1  }
0x14: {  	[tilespmem:s14], [sflag:$0x1] =	stream.indirect.gather [hbm4b:s2+s6], $0x80, s13, s6, $0xb8;
	[tilespmem:$0x14400] =	vst v63  }
0x15: {  	_ =	swait.ge [sflag:s15], $0x4000  }
0x16: {  	[sflag:s15] =	ssyncset.done $0x0  }
0x17: {  	[sflag:s15] =	ssyncadd.s32 $0xFFFFC000  }
0x18: {  	_ =	swait.ge [sflag:s15], $0x4000  }
0x19: {  	[sflag:s15] =	ssyncset.done $0x0  }
0x1a: {  	[sflag:s15] =	ssyncadd.s32 $0xFFFFC000  }
0x1b: {  	_ =	swait.ge [sflag:s15], $0x4000  }
0x1c: {  	[sflag:s15] =	ssyncset.done $0x0  }
0x1d: {  	s17 =	ssub.s32 $0x2, s17;
	[sflag:s15] =	ssyncadd.s32 $0xFFFFC000  }
0x1e: {  	s19 =	sshrl.u32 s17, $0x1;
	_ =	swait.ge [sflag:s15], $0x4000  }
0x1f: {  	s17 =	ssub.s32 s17, s19;
	[sflag:s15] =	ssyncset.done $0x0  }
0x20: {  	s17 =	smax.u32 s17, $0x1;
	[sflag:s15] =	ssyncadd.s32 $0xFFFFC000  }
0x21: {  	s18 =	smul.u32 $0x2800, s18;
	p0 =	sne.s32 s17, $0x1;
	_ =	swait.ge [sflag:s15], $0x4000  }
.Ltmp0:
0x22: {  	[sflag:s15] =	ssyncset.done $0x0;
	(pc) =	sbr.rel @!p0 .LBB2_2-.Ltmp0, $4  }
0x23: {  	s16 =	sadd.s32 s16, s18;
	[sflag:s15] =	ssyncadd.s32 $0xFFFFC000  }
0x24: {  	[hbm4b:s16+s3] =	stream.linear.scatter [tilespmem:s7], [sflag:$0x2], $0x14000, $0x38;
	[tilespmem:$0x14400] =	vst v63  }
0x25: {  	_ =	swait.ge [sflag:s4], $0x14000  }
0x26: {  	s17 =	sadd.s32 $0xFFFFFFFF, s17;
	[sflag:s4] =	ssyncset.done $0x0  }
.LBB2_1:
0x27: {  	p0 =	sne.s32 s17, $0x1;
	s17 =	sadd.s32 $0xFFFFFFFF, s17;
	[sflag:s4] =	ssyncadd.s32 $0xFFFEC000  }
0x28: {  	[tilespmem:s3], [sflag:$0x2] =	stream.linear.gather [hbm4b:s5+s3], $0x280, $0x38;
	[tilespmem:$0x14400] =	vst v63  }
0x29: {  	_ =	swait.ge [sflag:s4], $0x280  }
0x2a: {  	[sflag:s4] =	ssyncset.done $0x0  }
0x2b: {  	[sflag:s4] =	ssyncadd.s32 $0xFFFFFD80  }
0x2c: {  	[tilespmem:s7], [sflag:$0x1] =	stream.indirect.gather [hbm4b:s2+s6], $0x80, s3, s6, $0xb8;
	[tilespmem:$0x14400] =	vst v63  }
0x2d: {  	_ = 	snop  }
0x2e: {  	[tilespmem:s8], [sflag:$0x1] =	stream.indirect.gather [hbm4b:s2+s6], $0x80, s6, s6, $0xb8;
	[tilespmem:$0x14400] =	vst v63  }
0x2f: {  	_ = 	snop  }
0x30: {  	[tilespmem:s10], [sflag:$0x1] =	stream.indirect.gather [hbm4b:s2+s6], $0x80, s9, s6, $0xb8;
	[tilespmem:$0x14400] =	vst v63  }
0x31: {  	_ = 	snop  }
0x32: {  	[tilespmem:s12], [sflag:$0x1] =	stream.indirect.gather [hbm4b:s2+s6], $0x80, s11, s6, $0xb8;
	[tilespmem:$0x14400] =	vst v63  }
0x33: {  	_ = 	snop  }
0x34: {  	[tilespmem:s14], [sflag:$0x1] =	stream.indirect.gather [hbm4b:s2+s6], $0x80, s13, s6, $0xb8;
	[tilespmem:$0x14400] =	vst v63  }
0x35: {  	_ =	swait.ge [sflag:s15], $0x4000  }
0x36: {  	[sflag:s15] =	ssyncset.done $0x0  }
0x37: {  	[sflag:s15] =	ssyncadd.s32 $0xFFFFC000  }
0x38: {  	_ =	swait.ge [sflag:s15], $0x4000  }
0x39: {  	[sflag:s15] =	ssyncset.done $0x0  }
0x3a: {  	[sflag:s15] =	ssyncadd.s32 $0xFFFFC000  }
0x3b: {  	_ =	swait.ge [sflag:s15], $0x4000  }
0x3c: {  	[sflag:s15] =	ssyncset.done $0x0  }
0x3d: {  	[sflag:s15] =	ssyncadd.s32 $0xFFFFC000  }
0x3e: {  	_ =	swait.ge [sflag:s15], $0x4000  }
0x3f: {  	[sflag:s15] =	ssyncset.done $0x0  }
0x40: {  	[sflag:s15] =	ssyncadd.s32 $0xFFFFC000  }
0x41: {  	_ =	swait.ge [sflag:s15], $0x4000  }
.Ltmp1:
0x42: {  	[sflag:s15] =	ssyncset.done $0x0;
	(pc) =	sbr.rel @p0 .LBB2_1-.Ltmp1, $4  }
0x43: {  	[sflag:s15] =	ssyncadd.s32 $0xFFFFC000  }
0x44: {  	[hbm4b:s16+s3] =	stream.linear.scatter [tilespmem:s7], [sflag:$0x2], $0x14000, $0x38;
	[tilespmem:$0x14400] =	vst v63  }
0x45: {  	_ =	swait.ge [sflag:s4], $0x14000  }
0x46: {  	[sflag:s4] =	ssyncset.done $0x0  }
.LBB2_2:
0x47: {  	[sflag:s4] =	ssyncadd.s32 $0xFFFEC000  }
0x48: {  	_ =	sfence.sel $0x180000  }
0x49: {  	[bflag:$0x0] =	sbarrier.arrive $0xFFFF  }
0x4a: {  	p0 =	sne.s32 s0, $0x0;
	_ =	strace $0x90000047  }
0x4b: {  	s0 =	sadd.s32 @!p0 $0x100000, s1;
	[bflag:$0x2] =	sbarrier.arrive $0xFFFF  }
0x4c: {  	[sflag:s0] =	ssyncadd.tile.s32 @!p0 $0x1;
	_ =	shalt  }
.Lfunc_end2:
_tile_overlayer_lowered:
.L_overlay_start_2:
0x4d: {  	(tag) =	ssettag $0x2  }
0x4e: {  	s0 =	rddreg [dreg:$0x0];
	s2 =	stileid.u32  }
0x4f: {  	s1 =	rddreg [dreg:$0x1];
	p0 =	sne.s32 s2, $0x0  }
0x50: {  	s3 =	rddreg [dreg:$0x2];
	[bflag:$0x3] =	sbarrier.arrive $0xFFFF;
	s2 =	simm.s32 @!p0 $0x1C02  }
0x51: {  	[timem:s3], [sflag:s2] =	dma.local @!p0 [hbm:s0], s1  }
0x52: {  	s0 =	simm.s32 @!p0 $0x2  }
0x53: {  	_ =	swait.ge @!p0 [sflag:s0], s1  }
0x54: {  	s1 =	ssub.s32 @!p0 $0x0, s1;
	[sflag:s0] =	ssyncset.done @!p0 $0x0  }
0x55: {  	[sflag:s0] =	ssyncadd.s32 @!p0 s1  }
0x56: {  	[bflag:$0x3] =	sbarrier.arrive $0xFFFF  }
0x57: {  	_ =	shalt  }

</sc_bundles>
